<compile_context>
chip_gen: v7x
topology: tpu7x:2x2x1
jax: 0.10.2.dev20260603
libtpu: 0.0.44.dev20260713+nightly
codegen_flags: <defaults>
</compile_context>

<pallas_src>
import functools

import jax
import jax.numpy as jnp
from jax import lax
from jax.experimental import pallas as pl
from jax.experimental.pallas import tpu as pltpu
from jax.experimental.pallas import tpu_sc as plsc

B = 8
P = 2048
Q = 2048
DPAD = 8
LANE = 128
NBLK = Q // LANE

NW = 32
NSCB = 1
NTCB = B - NSCB
WPB = NW // NSCB
QPW = P // WPB
NQV = QPW // 16
NTV = Q // 16
BIG = 1e30

_mesh = plsc.VectorSubcoreMesh(core_axis_name="c", subcore_axis_name="s")


@functools.partial(
    pl.kernel,
    out_type=(
        jax.ShapeDtypeStruct((NW, 16), jnp.float32),
        jax.ShapeDtypeStruct((NW, Q), jnp.float32),
    ),
    mesh=_mesh,
    scratch_types=[
        pltpu.VMEM((3, QPW), jnp.float32),
        pltpu.VMEM((3, Q), jnp.float32),
        pltpu.VMEM((Q,), jnp.float32),
        pltpu.VMEM((16,), jnp.float32),
    ],
)
def _sc_chamfer(xt_hbm, yt_hbm, minxs_hbm, miny_hbm, xq_v, yt_v, miny_v, sx_v):
    c = lax.axis_index("c")
    s = lax.axis_index("s")
    wid = s * 2 + c
    b = wid // WPB
    qbase = (wid % WPB) * QPW

    pltpu.sync_copy(xt_hbm.at[b, 0, pl.ds(qbase, QPW)], xq_v.at[0])
    pltpu.sync_copy(xt_hbm.at[b, 1, pl.ds(qbase, QPW)], xq_v.at[1])
    pltpu.sync_copy(xt_hbm.at[b, 2, pl.ds(qbase, QPW)], xq_v.at[2])
    pltpu.sync_copy(yt_hbm.at[b], yt_v)

    def init_j(j, carry):
        miny_v[pl.ds(j * 16, 16)] = jnp.full((16,), BIG, jnp.float32)
        return carry

    lax.fori_loop(0, NTV, init_j, 0)

    iota16 = lax.iota(jnp.int32, 16)
    rot1 = (iota16 + 1) & 15
    unrot = [(iota16 + (16 - r)) & 15 for r in range(16)]

    def qv_loop(i, sumvec):
        qx0 = xq_v[0, pl.ds(i * 16, 16)]
        qy0 = xq_v[1, pl.ds(i * 16, 16)]
        qz0 = xq_v[2, pl.ds(i * 16, 16)]

        def t_loop(j, macc):
            tx = yt_v[0, pl.ds(j * 16, 16)]
            ty = yt_v[1, pl.ds(j * 16, 16)]
            tz = yt_v[2, pl.ds(j * 16, 16)]
            mv = miny_v[pl.ds(j * 16, 16)]
            qx, qy, qz = qx0, qy0, qz0
            out = []
            for r in range(16):
                if r > 0:
                    qx = jnp.take_along_axis(qx, rot1, axis=0)
                    qy = jnp.take_along_axis(qy, rot1, axis=0)
                    qz = jnp.take_along_axis(qz, rot1, axis=0)
                dx = qx - tx
                dy = qy - ty
                dz = qz - tz
                d = dx * dx + dy * dy + dz * dz
                out.append(jnp.minimum(macc[r], d))
                mv = jnp.minimum(mv, d)
            miny_v[pl.ds(j * 16, 16)] = mv
            return tuple(out)

        macc0 = tuple(jnp.full((16,), BIG, jnp.float32) for _ in range(16))
        macc = lax.fori_loop(0, NTV, t_loop, macc0)

        res = macc[0]
        for r in range(1, 16):
            res = jnp.minimum(res, jnp.take_along_axis(macc[r], unrot[r], axis=0))
        return sumvec + jnp.maximum(res, 0.0)

    sumvec = lax.fori_loop(0, NQV, qv_loop, jnp.zeros((16,), jnp.float32))
    sx_v[...] = sumvec
    pltpu.sync_copy(sx_v, minxs_hbm.at[wid])
    pltpu.sync_copy(miny_v, miny_hbm.at[wid])


def _tc_body(x_ref, yt_ref, out_ref, acc_ref):
    b = pl.program_id(0)

    x = x_ref[0]
    yt = yt_ref[0]

    x2 = jnp.sum(x * x, axis=1, keepdims=True)
    aug_x = jnp.concatenate(
        [x, x2, jnp.ones((P, 1), jnp.float32),
         jnp.zeros((P, DPAD - 5), jnp.float32)], axis=1)

    y2 = jnp.sum(yt * yt, axis=0, keepdims=True)
    aug_y = jnp.concatenate(
        [-2.0 * yt, jnp.ones((1, Q), jnp.float32), y2,
         jnp.zeros((DPAD - 5, Q), jnp.float32)], axis=0)

    d = jax.lax.dot_general(
        aug_x, aug_y, (((1,), (0,)), ((), ())),
        preferred_element_type=jnp.float32,
    )

    s = 0.0
    a = None
    for k in range(NBLK):
        dblk = d[:, k * LANE:(k + 1) * LANE]
        a = dblk if a is None else jnp.minimum(a, dblk)
        my = jnp.min(dblk, axis=0)
        s += jnp.sum(jnp.maximum(my, 0.0))

    mx = jnp.min(a, axis=1)
    s += jnp.sum(jnp.maximum(mx, 0.0))

    @pl.when(b == 0)
    def _():
        acc_ref[0, 0] = 0.0

    acc_ref[0, 0] += s

    @pl.when(b == NTCB - 1)
    def _():
        out_ref[0, 0] = acc_ref[0, 0]


def _combine_body(tc_ref, minxs_ref, miny_ref, out_ref):
    m = jnp.min(miny_ref[...], axis=0)
    s = jnp.sum(jnp.maximum(m, 0.0)) + jnp.sum(minxs_ref[...]) + tc_ref[0, 0]
    out_ref[0, 0] = s / (float(P) * float(B))


def kernel(x_hat, pos):
    yt = jnp.transpose(pos, (0, 2, 1))
    xt_sc = jnp.transpose(x_hat[NTCB:], (0, 2, 1))

    minxs, miny = _sc_chamfer(xt_sc, yt[NTCB:])

    tc_sum = pl.pallas_call(
        _tc_body,
        grid=(NTCB,),
        in_specs=[
            pl.BlockSpec((1, P, 3), lambda b: (b, 0, 0)),
            pl.BlockSpec((1, 3, Q), lambda b: (b, 0, 0)),
        ],
        out_specs=pl.BlockSpec(
            (1, 1), lambda b: (0, 0), memory_space=pltpu.SMEM
        ),
        out_shape=jax.ShapeDtypeStruct((1, 1), jnp.float32),
        scratch_shapes=[
            pltpu.SMEM((1, 1), jnp.float32),
        ],
    )(x_hat[:NTCB], yt[:NTCB])

    out = pl.pallas_call(
        _combine_body,
        in_specs=[
            pl.BlockSpec(memory_space=pltpu.SMEM),
            pl.BlockSpec(memory_space=pltpu.VMEM),
            pl.BlockSpec(memory_space=pltpu.VMEM),
        ],
        out_specs=pl.BlockSpec(memory_space=pltpu.SMEM),
        out_shape=jax.ShapeDtypeStruct((1, 1), jnp.float32),
    )(tc_sum, minxs, miny)
    return out[0, 0]

# --- scband reference (transcript-rebuilt; emitter-appended) ---
"""Pipeline reference for scband-chamfer-pcc-rate-distortion-loss-11184094838808 (READ-ONLY COPY).

The authoritative reference and input builder live on the scoring server;
editing this copy changes nothing except your own understanding.
"""

import jax, jax.numpy as jnp
import numpy as np


def setup_inputs(seed: int = 0) -> dict:
    key = jax.random.key(seed)
    k1, k2 = jax.random.split(key)
    x_hat = jax.random.normal(k1, (8, 2048, 3), dtype=jnp.float32)
    pos = jax.random.normal(k2, (8, 2048, 3), dtype=jnp.float32)
    return {"x_hat": x_hat, "pos": pos}


def _chamfer_distance(x, y):
    # x: [B, P, 3] predicted points, y: [B, Q, 3] target points
    # squared Euclidean pairwise distances via ||x||^2 + ||y||^2 - 2 x.y
    x2 = jnp.sum(x * x, axis=-1)                      # [B, P]
    y2 = jnp.sum(y * y, axis=-1)                      # [B, Q]
    xy = jnp.einsum('bpd,bqd->bpq', x, y)             # [B, P, Q]
    d = x2[:, :, None] + y2[:, None, :] - 2.0 * xy    # [B, P, Q]
    d = jnp.maximum(d, 0.0)
    # nearest-neighbor retrieval in both directions (kNN with k=1)
    cham_x = jnp.mean(jnp.min(d, axis=2), axis=1)     # [B] x -> y
    cham_y = jnp.mean(jnp.min(d, axis=1), axis=1)     # [B] y -> x
    loss = jnp.mean(cham_x + cham_y)                  # batch_reduction='mean'
    return loss


def reference(x_hat, pos):
    # output dict has no 'likelihoods' key -> rate loss is {}
    rec_loss = _chamfer_distance(x_hat, pos)
    # lmbda = {'rec': 1.0, 'bpp': 1.0}; only rec_loss present
    loss = 1.0 * rec_loss
    return loss

if __name__ == "__main__":
    import jax
    _d = setup_inputs()
    print(jax.jit(kernel)(*tuple(_d.values())))

</pallas_src>

<mosaic_0001>
#map = affine_map<(d0, d1) -> (0, 0, 0)>
#map1 = affine_map<(d0, d1) -> (0, 0)>
module attributes {stable_mosaic.version = 14 : i64} {
  func.func @_sc_chamfer(%arg0: i32, %arg1: i32, %arg2: memref<1x3x2048xf32, #tpu.memory_space<hbm>>, %arg3: memref<1x3x2048xf32, #tpu.memory_space<hbm>>, %arg4: memref<32x16xf32, #tpu.memory_space<hbm>>, %arg5: memref<32x2048xf32, #tpu.memory_space<hbm>>, %arg6: memref<3x64xf32, #tpu.memory_space<vmem>>, %arg7: memref<3x2048xf32, #tpu.memory_space<vmem>>, %arg8: memref<2048xf32, #tpu.memory_space<vmem>>, %arg9: memref<16xf32, #tpu.memory_space<vmem>>) attributes {dimension_semantics = [#tpu.dimension_semantics<core_parallel>, #tpu.dimension_semantics<subcore_parallel>], iteration_bounds = array<i64: 2, 16>, scalar_prefetch = 0 : i64, scratch_operands = 4 : i64, tpu.core_type = #tpu.core_type<sc_vector_subcore>, window_params = [{transform_indices = #map}, {transform_indices = #map}, {transform_indices = #map1}, {transform_indices = #map1}]} {
    %mul3A = arith.constant 2 : i32
    %mul3A_0 = arith.muli %arg1, %mul3A : i32
    %add3A = arith.addi %mul3A_0, %arg0 : i32
    %jit3A = arith.constant 32 : i32
    %div3A = arith.divsi %add3A, %jit3A : i32
    %sign3A = arith.constant 0 : i32
    %sign3A_1 = arith.cmpi sgt, %add3A, %sign3A : i32
    %sign3A_2 = arith.extui %sign3A_1 : i1 to i32
    %sign3A_3 = arith.constant 0 : i32
    %sign3A_4 = arith.cmpi slt, %add3A, %sign3A_3 : i32
    %sign3A_5 = arith.extui %sign3A_4 : i1 to i32
    %sign3A_6 = arith.subi %sign3A_2, %sign3A_5 : i32
    %sign3A_7 = arith.constant 0 : i32
    %sign3A_8 = arith.cmpi sgt, %jit3A, %sign3A_7 : i32
    %sign3A_9 = arith.extui %sign3A_8 : i1 to i32
    %sign3A_10 = arith.constant 0 : i32
    %sign3A_11 = arith.cmpi slt, %jit3A, %sign3A_10 : i32
    %sign3A_12 = arith.extui %sign3A_11 : i1 to i32
    %sign3A_13 = arith.subi %sign3A_9, %sign3A_12 : i32
    %ne3A = arith.cmpi ne, %sign3A_6, %sign3A_13 : i32
    %rem3A = arith.remsi %add3A, %jit3A : i32
    %ne3A_14 = arith.constant 0 : i32
    %ne3A_15 = arith.cmpi ne, %rem3A, %ne3A_14 : i32
    %and3A = arith.andi %ne3A, %ne3A_15 : i1
    %sub3A = arith.constant 1 : i32
    %sub3A_16 = arith.subi %div3A, %sub3A : i32
    %select_n3A = arith.select %and3A, %sub3A_16, %div3A : i32
    %jit3A_17 = arith.constant 32 : i32
    %eq3A = arith.constant 0 : i32
    %eq3A_18 = arith.cmpi eq, %jit3A_17, %eq3A : i32
    %jit3A_19 = arith.constant 1 : i32
    %select_n3A_20 = arith.select %eq3A_18, %jit3A_19, %jit3A_17 : i32
    %rem3A_21 = arith.remsi %add3A, %select_n3A_20 : i32
    %ne3A_22 = arith.constant 0 : i32
    %ne3A_23 = arith.cmpi ne, %rem3A_21, %ne3A_22 : i32
    %lt3A = arith.constant 0 : i32
    %lt3A_24 = arith.cmpi slt, %rem3A_21, %lt3A : i32
    %lt3A_25 = arith.constant 0 : i32
    %lt3A_26 = arith.cmpi slt, %select_n3A_20, %lt3A_25 : i32
    %ne3A_27 = arith.xori %lt3A_24, %lt3A_26 : i1
    %and3A_28 = arith.andi %ne3A_27, %ne3A_23 : i1
    %add3A_29 = arith.addi %rem3A_21, %select_n3A_20 : i32
    %select_n3A_30 = arith.select %and3A_28, %add3A_29, %rem3A_21 : i32
    %mul3A_31 = arith.constant 64 : i32
    %mul3A_32 = arith.muli %select_n3A_30, %mul3A_31 : i32
    %run_scoped3A = arith.constant 0 : i32
    %run_scoped3A_33 = arith.constant 0 : i32
    "tpu.region"() ({
      %run_scoped3A_155 = tpu.sem_alloc : memref<!tpu.dma_semaphore, #tpu.memory_space<semaphore_mem>>
      %dma_start3A = arith.constant 0 : i32
      %dma_start3A_156 = tpu.memref_slice %arg6[%run_scoped3A_33, %dma_start3A] : memref<3x64xf32, #tpu.memory_space<vmem>> -> memref<1x64xf32, #tpu.memory_space<vmem>>
      %dma_start3A_157 = tpu.memref_squeeze %dma_start3A_156 : memref<1x64xf32, #tpu.memory_space<vmem>> -> memref<64xf32, #tpu.memory_space<vmem>>
      %dma_start3A_158 = tpu.memref_slice %arg2[%select_n3A, %run_scoped3A, %mul3A_32] : memref<1x3x2048xf32, #tpu.memory_space<hbm>> -> memref<1x1x64xf32, #tpu.memory_space<hbm>>
      %dma_start3A_159 = tpu.memref_squeeze %dma_start3A_158 : memref<1x1x64xf32, #tpu.memory_space<hbm>> -> memref<64xf32, #tpu.memory_space<hbm>>
      %dma_start3A_160 = arith.constant 0 : i32
      %dma_start3A_161 = tpu.memref_slice %arg6[%run_scoped3A_33, %dma_start3A_160] : memref<3x64xf32, #tpu.memory_space<vmem>> -> memref<1x64xf32, #tpu.memory_space<vmem>>
      %dma_start3A_162 = tpu.memref_squeeze %dma_start3A_161 : memref<1x64xf32, #tpu.memory_space<vmem>> -> memref<64xf32, #tpu.memory_space<vmem>>
      %dma_start3A_163 = tpu.memref_slice %arg2[%select_n3A, %run_scoped3A, %mul3A_32] : memref<1x3x2048xf32, #tpu.memory_space<hbm>> -> memref<1x1x64xf32, #tpu.memory_space<hbm>>
      %dma_start3A_164 = tpu.memref_squeeze %dma_start3A_163 : memref<1x1x64xf32, #tpu.memory_space<hbm>> -> memref<64xf32, #tpu.memory_space<hbm>>
      tpu.enqueue_dma source(%dma_start3A_164 : memref<64xf32, #tpu.memory_space<hbm>>) target(%dma_start3A_162 : memref<64xf32, #tpu.memory_space<vmem>>) target_semaphore(%run_scoped3A_155 : memref<!tpu.dma_semaphore, #tpu.memory_space<semaphore_mem>>)
      %dma_wait3A = arith.constant 0 : i32
      %dma_wait3A_165 = tpu.memref_slice %arg6[%run_scoped3A_33, %dma_wait3A] : memref<3x64xf32, #tpu.memory_space<vmem>> -> memref<1x64xf32, #tpu.memory_space<vmem>>
      %dma_wait3A_166 = tpu.memref_squeeze %dma_wait3A_165 : memref<1x64xf32, #tpu.memory_space<vmem>> -> memref<64xf32, #tpu.memory_space<vmem>>
      %dma_wait3A_167 = tpu.memref_slice %arg2[%select_n3A, %run_scoped3A, %mul3A_32] : memref<1x3x2048xf32, #tpu.memory_space<hbm>> -> memref<1x1x64xf32, #tpu.memory_space<hbm>>
      %dma_wait3A_168 = tpu.memref_squeeze %dma_wait3A_167 : memref<1x1x64xf32, #tpu.memory_space<hbm>> -> memref<64xf32, #tpu.memory_space<hbm>>
      %dma_wait3A_169 = arith.constant 0 : i32
      %dma_wait3A_170 = tpu.memref_slice %arg6[%run_scoped3A_33, %dma_wait3A_169] : memref<3x64xf32, #tpu.memory_space<vmem>> -> memref<1x64xf32, #tpu.memory_space<vmem>>
      %dma_wait3A_171 = tpu.memref_squeeze %dma_wait3A_170 : memref<1x64xf32, #tpu.memory_space<vmem>> -> memref<64xf32, #tpu.memory_space<vmem>>
      %dma_wait3A_172 = tpu.memref_slice %arg2[%select_n3A, %run_scoped3A, %mul3A_32] : memref<1x3x2048xf32, #tpu.memory_space<hbm>> -> memref<1x1x64xf32, #tpu.memory_space<hbm>>
      %dma_wait3A_173 = tpu.memref_squeeze %dma_wait3A_172 : memref<1x1x64xf32, #tpu.memory_space<hbm>> -> memref<64xf32, #tpu.memory_space<hbm>>
      tpu.wait_dma2 semaphore(%run_scoped3A_155 : memref<!tpu.dma_semaphore, #tpu.memory_space<semaphore_mem>>) src(%dma_wait3A_173 : memref<64xf32, #tpu.memory_space<hbm>>) dst(%dma_wait3A_171 : memref<64xf32, #tpu.memory_space<vmem>>)
      tpu.yield
    }) : () -> ()
    %run_scoped3A_34 = arith.constant 1 : i32
    %run_scoped3A_35 = arith.constant 1 : i32
    "tpu.region"() ({
      %run_scoped3A_155 = tpu.sem_alloc : memref<!tpu.dma_semaphore, #tpu.memory_space<semaphore_mem>>
      %dma_start3A = arith.constant 0 : i32
      %dma_start3A_156 = tpu.memref_slice %arg6[%run_scoped3A_35, %dma_start3A] : memref<3x64xf32, #tpu.memory_space<vmem>> -> memref<1x64xf32, #tpu.memory_space<vmem>>
      %dma_start3A_157 = tpu.memref_squeeze %dma_start3A_156 : memref<1x64xf32, #tpu.memory_space<vmem>> -> memref<64xf32, #tpu.memory_space<vmem>>
      %dma_start3A_158 = tpu.memref_slice %arg2[%select_n3A, %run_scoped3A_34, %mul3A_32] : memref<1x3x2048xf32, #tpu.memory_space<hbm>> -> memref<1x1x64xf32, #tpu.memory_space<hbm>>
      %dma_start3A_159 = tpu.memref_squeeze %dma_start3A_158 : memref<1x1x64xf32, #tpu.memory_space<hbm>> -> memref<64xf32, #tpu.memory_space<hbm>>
      %dma_start3A_160 = arith.constant 0 : i32
      %dma_start3A_161 = tpu.memref_slice %arg6[%run_scoped3A_35, %dma_start3A_160] : memref<3x64xf32, #tpu.memory_space<vmem>> -> memref<1x64xf32, #tpu.memory_space<vmem>>
      %dma_start3A_162 = tpu.memref_squeeze %dma_start3A_161 : memref<1x64xf32, #tpu.memory_space<vmem>> -> memref<64xf32, #tpu.memory_space<vmem>>
      %dma_start3A_163 = tpu.memref_slice %arg2[%select_n3A, %run_scoped3A_34, %mul3A_32] : memref<1x3x2048xf32, #tpu.memory_space<hbm>> -> memref<1x1x64xf32, #tpu.memory_space<hbm>>
      %dma_start3A_164 = tpu.memref_squeeze %dma_start3A_163 : memref<1x1x64xf32, #tpu.memory_space<hbm>> -> memref<64xf32, #tpu.memory_space<hbm>>
      tpu.enqueue_dma source(%dma_start3A_164 : memref<64xf32, #tpu.memory_space<hbm>>) target(%dma_start3A_162 : memref<64xf32, #tpu.memory_space<vmem>>) target_semaphore(%run_scoped3A_155 : memref<!tpu.dma_semaphore, #tpu.memory_space<semaphore_mem>>)
      %dma_wait3A = arith.constant 0 : i32
      %dma_wait3A_165 = tpu.memref_slice %arg6[%run_scoped3A_35, %dma_wait3A] : memref<3x64xf32, #tpu.memory_space<vmem>> -> memref<1x64xf32, #tpu.memory_space<vmem>>
      %dma_wait3A_166 = tpu.memref_squeeze %dma_wait3A_165 : memref<1x64xf32, #tpu.memory_space<vmem>> -> memref<64xf32, #tpu.memory_space<vmem>>
      %dma_wait3A_167 = tpu.memref_slice %arg2[%select_n3A, %run_scoped3A_34, %mul3A_32] : memref<1x3x2048xf32, #tpu.memory_space<hbm>> -> memref<1x1x64xf32, #tpu.memory_space<hbm>>
      %dma_wait3A_168 = tpu.memref_squeeze %dma_wait3A_167 : memref<1x1x64xf32, #tpu.memory_space<hbm>> -> memref<64xf32, #tpu.memory_space<hbm>>
      %dma_wait3A_169 = arith.constant 0 : i32
      %dma_wait3A_170 = tpu.memref_slice %arg6[%run_scoped3A_35, %dma_wait3A_169] : memref<3x64xf32, #tpu.memory_space<vmem>> -> memref<1x64xf32, #tpu.memory_space<vmem>>
      %dma_wait3A_171 = tpu.memref_squeeze %dma_wait3A_170 : memref<1x64xf32, #tpu.memory_space<vmem>> -> memref<64xf32, #tpu.memory_space<vmem>>
      %dma_wait3A_172 = tpu.memref_slice %arg2[%select_n3A, %run_scoped3A_34, %mul3A_32] : memref<1x3x2048xf32, #tpu.memory_space<hbm>> -> memref<1x1x64xf32, #tpu.memory_space<hbm>>
      %dma_wait3A_173 = tpu.memref_squeeze %dma_wait3A_172 : memref<1x1x64xf32, #tpu.memory_space<hbm>> -> memref<64xf32, #tpu.memory_space<hbm>>
      tpu.wait_dma2 semaphore(%run_scoped3A_155 : memref<!tpu.dma_semaphore, #tpu.memory_space<semaphore_mem>>) src(%dma_wait3A_173 : memref<64xf32, #tpu.memory_space<hbm>>) dst(%dma_wait3A_171 : memref<64xf32, #tpu.memory_space<vmem>>)
      tpu.yield
    }) : () -> ()
    %run_scoped3A_36 = arith.constant 2 : i32
    %run_scoped3A_37 = arith.constant 2 : i32
    "tpu.region"() ({
      %run_scoped3A_155 = tpu.sem_alloc : memref<!tpu.dma_semaphore, #tpu.memory_space<semaphore_mem>>
      %dma_start3A = arith.constant 0 : i32
      %dma_start3A_156 = tpu.memref_slice %arg6[%run_scoped3A_37, %dma_start3A] : memref<3x64xf32, #tpu.memory_space<vmem>> -> memref<1x64xf32, #tpu.memory_space<vmem>>
      %dma_start3A_157 = tpu.memref_squeeze %dma_start3A_156 : memref<1x64xf32, #tpu.memory_space<vmem>> -> memref<64xf32, #tpu.memory_space<vmem>>
      %dma_start3A_158 = tpu.memref_slice %arg2[%select_n3A, %run_scoped3A_36, %mul3A_32] : memref<1x3x2048xf32, #tpu.memory_space<hbm>> -> memref<1x1x64xf32, #tpu.memory_space<hbm>>
      %dma_start3A_159 = tpu.memref_squeeze %dma_start3A_158 : memref<1x1x64xf32, #tpu.memory_space<hbm>> -> memref<64xf32, #tpu.memory_space<hbm>>
      %dma_start3A_160 = arith.constant 0 : i32
      %dma_start3A_161 = tpu.memref_slice %arg6[%run_scoped3A_37, %dma_start3A_160] : memref<3x64xf32, #tpu.memory_space<vmem>> -> memref<1x64xf32, #tpu.memory_space<vmem>>
      %dma_start3A_162 = tpu.memref_squeeze %dma_start3A_161 : memref<1x64xf32, #tpu.memory_space<vmem>> -> memref<64xf32, #tpu.memory_space<vmem>>
      %dma_start3A_163 = tpu.memref_slice %arg2[%select_n3A, %run_scoped3A_36, %mul3A_32] : memref<1x3x2048xf32, #tpu.memory_space<hbm>> -> memref<1x1x64xf32, #tpu.memory_space<hbm>>
      %dma_start3A_164 = tpu.memref_squeeze %dma_start3A_163 : memref<1x1x64xf32, #tpu.memory_space<hbm>> -> memref<64xf32, #tpu.memory_space<hbm>>
      tpu.enqueue_dma source(%dma_start3A_164 : memref<64xf32, #tpu.memory_space<hbm>>) target(%dma_start3A_162 : memref<64xf32, #tpu.memory_space<vmem>>) target_semaphore(%run_scoped3A_155 : memref<!tpu.dma_semaphore, #tpu.memory_space<semaphore_mem>>)
      %dma_wait3A = arith.constant 0 : i32
      %dma_wait3A_165 = tpu.memref_slice %arg6[%run_scoped3A_37, %dma_wait3A] : memref<3x64xf32, #tpu.memory_space<vmem>> -> memref<1x64xf32, #tpu.memory_space<vmem>>
      %dma_wait3A_166 = tpu.memref_squeeze %dma_wait3A_165 : memref<1x64xf32, #tpu.memory_space<vmem>> -> memref<64xf32, #tpu.memory_space<vmem>>
      %dma_wait3A_167 = tpu.memref_slice %arg2[%select_n3A, %run_scoped3A_36, %mul3A_32] : memref<1x3x2048xf32, #tpu.memory_space<hbm>> -> memref<1x1x64xf32, #tpu.memory_space<hbm>>
      %dma_wait3A_168 = tpu.memref_squeeze %dma_wait3A_167 : memref<1x1x64xf32, #tpu.memory_space<hbm>> -> memref<64xf32, #tpu.memory_space<hbm>>
      %dma_wait3A_169 = arith.constant 0 : i32
      %dma_wait3A_170 = tpu.memref_slice %arg6[%run_scoped3A_37, %dma_wait3A_169] : memref<3x64xf32, #tpu.memory_space<vmem>> -> memref<1x64xf32, #tpu.memory_space<vmem>>
      %dma_wait3A_171 = tpu.memref_squeeze %dma_wait3A_170 : memref<1x64xf32, #tpu.memory_space<vmem>> -> memref<64xf32, #tpu.memory_space<vmem>>
      %dma_wait3A_172 = tpu.memref_slice %arg2[%select_n3A, %run_scoped3A_36, %mul3A_32] : memref<1x3x2048xf32, #tpu.memory_space<hbm>> -> memref<1x1x64xf32, #tpu.memory_space<hbm>>
      %dma_wait3A_173 = tpu.memref_squeeze %dma_wait3A_172 : memref<1x1x64xf32, #tpu.memory_space<hbm>> -> memref<64xf32, #tpu.memory_space<hbm>>
      tpu.wait_dma2 semaphore(%run_scoped3A_155 : memref<!tpu.dma_semaphore, #tpu.memory_space<semaphore_mem>>) src(%dma_wait3A_173 : memref<64xf32, #tpu.memory_space<hbm>>) dst(%dma_wait3A_171 : memref<64xf32, #tpu.memory_space<vmem>>)
      tpu.yield
    }) : () -> ()
    "tpu.region"() ({
      %run_scoped3A_155 = tpu.sem_alloc : memref<!tpu.dma_semaphore, #tpu.memory_space<semaphore_mem>>
      %dma_start3A = arith.constant 0 : i32
      %dma_start3A_156 = arith.constant 0 : i32
      %dma_start3A_157 = tpu.memref_slice %arg3[%select_n3A, %dma_start3A, %dma_start3A_156] : memref<1x3x2048xf32, #tpu.memory_space<hbm>> -> memref<1x3x2048xf32, #tpu.memory_space<hbm>>
      %dma_start3A_158 = tpu.memref_squeeze %dma_start3A_157 : memref<1x3x2048xf32, #tpu.memory_space<hbm>> -> memref<3x2048xf32, #tpu.memory_space<hbm>>
      %dma_start3A_159 = arith.constant 0 : i32
      %dma_start3A_160 = arith.constant 0 : i32
      %dma_start3A_161 = tpu.memref_slice %arg3[%select_n3A, %dma_start3A_159, %dma_start3A_160] : memref<1x3x2048xf32, #tpu.memory_space<hbm>> -> memref<1x3x2048xf32, #tpu.memory_space<hbm>>
      %dma_start3A_162 = tpu.memref_squeeze %dma_start3A_161 : memref<1x3x2048xf32, #tpu.memory_space<hbm>> -> memref<3x2048xf32, #tpu.memory_space<hbm>>
      tpu.enqueue_dma source(%dma_start3A_162 : memref<3x2048xf32, #tpu.memory_space<hbm>>) target(%arg7 : memref<3x2048xf32, #tpu.memory_space<vmem>>) target_semaphore(%run_scoped3A_155 : memref<!tpu.dma_semaphore, #tpu.memory_space<semaphore_mem>>)
      %dma_wait3A = arith.constant 0 : i32
      %dma_wait3A_163 = arith.constant 0 : i32
      %dma_wait3A_164 = tpu.memref_slice %arg3[%select_n3A, %dma_wait3A, %dma_wait3A_163] : memref<1x3x2048xf32, #tpu.memory_space<hbm>> -> memref<1x3x2048xf32, #tpu.memory_space<hbm>>
      %dma_wait3A_165 = tpu.memref_squeeze %dma_wait3A_164 : memref<1x3x2048xf32, #tpu.memory_space<hbm>> -> memref<3x2048xf32, #tpu.memory_space<hbm>>
      %dma_wait3A_166 = arith.constant 0 : i32
      %dma_wait3A_167 = arith.constant 0 : i32
      %dma_wait3A_168 = tpu.memref_slice %arg3[%select_n3A, %dma_wait3A_166, %dma_wait3A_167] : memref<1x3x2048xf32, #tpu.memory_space<hbm>> -> memref<1x3x2048xf32, #tpu.memory_space<hbm>>
      %dma_wait3A_169 = tpu.memref_squeeze %dma_wait3A_168 : memref<1x3x2048xf32, #tpu.memory_space<hbm>> -> memref<3x2048xf32, #tpu.memory_space<hbm>>
      tpu.wait_dma2 semaphore(%run_scoped3A_155 : memref<!tpu.dma_semaphore, #tpu.memory_space<semaphore_mem>>) src(%dma_wait3A_169 : memref<3x2048xf32, #tpu.memory_space<hbm>>) dst(%arg7 : memref<3x2048xf32, #tpu.memory_space<vmem>>)
      tpu.yield
    }) : () -> ()
    %scan3A = arith.constant 0 : i32
    %scan3A_38 = arith.constant 0 : i32
    %scan3A_39 = arith.constant 128 : i32
    %scan3A_40 = arith.addi %scan3A_38, %scan3A_39 : i32
    %scan3A_41 = arith.constant 1 : i32
    scf.for %scan3A_155 = %scan3A_38 to %scan3A_40 step %scan3A_41  : i32 {
      %broadcast_in_dim3A_156 = arith.constant 1.000000e+30 : f32
      %broadcast_in_dim3A_157 = vector.broadcast %broadcast_in_dim3A_156 : f32 to vector<16xf32>
      %mul3A_158 = arith.constant 16 : i32
      %mul3A_159 = arith.muli %scan3A_155, %mul3A_158 : i32
      %swap3A_160 = arith.index_cast %mul3A_159 : i32 to index
      %swap3A_161 = tpu.vector_load %arg8[%swap3A_160] {strides = array<i32>} : memref<2048xf32, #tpu.memory_space<vmem>>, vector<16xf32>,
      %swap3A_162 = vector.shape_cast %swap3A_161 : vector<16xf32> to vector<16xf32>
      %swap3A_163 = vector.shape_cast %broadcast_in_dim3A_157 : vector<16xf32> to vector<16xf32>
      tpu.vector_store %arg8[%swap3A_160], %swap3A_163 {strides = array<i32>} : memref<2048xf32, #tpu.memory_space<vmem>>, vector<16xf32>,
    }
    %scan3A_42 = arith.constant 128 : i32
    %iota3A = tpu.iota {dimensions = array<i32: 0>} : vector<16xi32>
    %add3A_43 = arith.constant 1 : i32
    %add3A_44 = vector.broadcast %add3A_43 : i32 to vector<16xi32>
    %add3A_45 = arith.addi %iota3A, %add3A_44 : vector<16xi32>
    %and3A_46 = arith.constant 15 : i32
    %and3A_47 = vector.broadcast %and3A_46 : i32 to vector<16xi32>
    %and3A_48 = arith.andi %add3A_45, %and3A_47 : vector<16xi32>
    %add3A_49 = arith.constant 16 : i32
    %add3A_50 = vector.broadcast %add3A_49 : i32 to vector<16xi32>
    %add3A_51 = arith.addi %iota3A, %add3A_50 : vector<16xi32>
    %and3A_52 = arith.constant 15 : i32
    %and3A_53 = vector.broadcast %and3A_52 : i32 to vector<16xi32>
    %and3A_54 = arith.andi %add3A_51, %and3A_53 : vector<16xi32>
    %add3A_55 = arith.constant 15 : i32
    %add3A_56 = vector.broadcast %add3A_55 : i32 to vector<16xi32>
    %add3A_57 = arith.addi %iota3A, %add3A_56 : vector<16xi32>
    %and3A_58 = arith.constant 15 : i32
    %and3A_59 = vector.broadcast %and3A_58 : i32 to vector<16xi32>
    %and3A_60 = arith.andi %add3A_57, %and3A_59 : vector<16xi32>
    %add3A_61 = arith.constant 14 : i32
    %add3A_62 = vector.broadcast %add3A_61 : i32 to vector<16xi32>
    %add3A_63 = arith.addi %iota3A, %add3A_62 : vector<16xi32>
    %and3A_64 = arith.constant 15 : i32
    %and3A_65 = vector.broadcast %and3A_64 : i32 to vector<16xi32>
    %and3A_66 = arith.andi %add3A_63, %and3A_65 : vector<16xi32>
    %add3A_67 = arith.constant 13 : i32
    %add3A_68 = vector.broadcast %add3A_67 : i32 to vector<16xi32>
    %add3A_69 = arith.addi %iota3A, %add3A_68 : vector<16xi32>
    %and3A_70 = arith.constant 15 : i32
    %and3A_71 = vector.broadcast %and3A_70 : i32 to vector<16xi32>
    %and3A_72 = arith.andi %add3A_69, %and3A_71 : vector<16xi32>
    %add3A_73 = arith.constant 12 : i32
    %add3A_74 = vector.broadcast %add3A_73 : i32 to vector<16xi32>
    %add3A_75 = arith.addi %iota3A, %add3A_74 : vector<16xi32>
    %and3A_76 = arith.constant 15 : i32
    %and3A_77 = vector.broadcast %and3A_76 : i32 to vector<16xi32>
    %and3A_78 = arith.andi %add3A_75, %and3A_77 : vector<16xi32>
    %add3A_79 = arith.constant 11 : i32
    %add3A_80 = vector.broadcast %add3A_79 : i32 to vector<16xi32>
    %add3A_81 = arith.addi %iota3A, %add3A_80 : vector<16xi32>
    %and3A_82 = arith.constant 15 : i32
    %and3A_83 = vector.broadcast %and3A_82 : i32 to vector<16xi32>
    %and3A_84 = arith.andi %add3A_81, %and3A_83 : vector<16xi32>
    %add3A_85 = arith.constant 10 : i32
    %add3A_86 = vector.broadcast %add3A_85 : i32 to vector<16xi32>
    %add3A_87 = arith.addi %iota3A, %add3A_86 : vector<16xi32>
    %and3A_88 = arith.constant 15 : i32
    %and3A_89 = vector.broadcast %and3A_88 : i32 to vector<16xi32>
    %and3A_90 = arith.andi %add3A_87, %and3A_89 : vector<16xi32>
    %add3A_91 = arith.constant 9 : i32
    %add3A_92 = vector.broadcast %add3A_91 : i32 to vector<16xi32>
    %add3A_93 = arith.addi %iota3A, %add3A_92 : vector<16xi32>
    %and3A_94 = arith.constant 15 : i32
    %and3A_95 = vector.broadcast %and3A_94 : i32 to vector<16xi32>
    %and3A_96 = arith.andi %add3A_93, %and3A_95 : vector<16xi32>
    %add3A_97 = arith.constant 8 : i32
    %add3A_98 = vector.broadcast %add3A_97 : i32 to vector<16xi32>
    %add3A_99 = arith.addi %iota3A, %add3A_98 : vector<16xi32>
    %and3A_100 = arith.constant 15 : i32
    %and3A_101 = vector.broadcast %and3A_100 : i32 to vector<16xi32>
    %and3A_102 = arith.andi %add3A_99, %and3A_101 : vector<16xi32>
    %add3A_103 = arith.constant 7 : i32
    %add3A_104 = vector.broadcast %add3A_103 : i32 to vector<16xi32>
    %add3A_105 = arith.addi %iota3A, %add3A_104 : vector<16xi32>
    %and3A_106 = arith.constant 15 : i32
    %and3A_107 = vector.broadcast %and3A_106 : i32 to vector<16xi32>
    %and3A_108 = arith.andi %add3A_105, %and3A_107 : vector<16xi32>
    %add3A_109 = arith.constant 6 : i32
    %add3A_110 = vector.broadcast %add3A_109 : i32 to vector<16xi32>
    %add3A_111 = arith.addi %iota3A, %add3A_110 : vector<16xi32>
    %and3A_112 = arith.constant 15 : i32
    %and3A_113 = vector.broadcast %and3A_112 : i32 to vector<16xi32>
    %and3A_114 = arith.andi %add3A_111, %and3A_113 : vector<16xi32>
    %add3A_115 = arith.constant 5 : i32
    %add3A_116 = vector.broadcast %add3A_115 : i32 to vector<16xi32>
    %add3A_117 = arith.addi %iota3A, %add3A_116 : vector<16xi32>
    %and3A_118 = arith.constant 15 : i32
    %and3A_119 = vector.broadcast %and3A_118 : i32 to vector<16xi32>
    %and3A_120 = arith.andi %add3A_117, %and3A_119 : vector<16xi32>
    %add3A_121 = arith.constant 4 : i32
    %add3A_122 = vector.broadcast %add3A_121 : i32 to vector<16xi32>
    %add3A_123 = arith.addi %iota3A, %add3A_122 : vector<16xi32>
    %and3A_124 = arith.constant 15 : i32
    %and3A_125 = vector.broadcast %and3A_124 : i32 to vector<16xi32>
    %and3A_126 = arith.andi %add3A_123, %and3A_125 : vector<16xi32>
    %add3A_127 = arith.constant 3 : i32
    %add3A_128 = vector.broadcast %add3A_127 : i32 to vector<16xi32>
    %add3A_129 = arith.addi %iota3A, %add3A_128 : vector<16xi32>
    %and3A_130 = arith.constant 15 : i32
    %and3A_131 = vector.broadcast %and3A_130 : i32 to vector<16xi32>
    %and3A_132 = arith.andi %add3A_129, %and3A_131 : vector<16xi32>
    %add3A_133 = arith.constant 2 : i32
    %add3A_134 = vector.broadcast %add3A_133 : i32 to vector<16xi32>
    %add3A_135 = arith.addi %iota3A, %add3A_134 : vector<16xi32>
    %and3A_136 = arith.constant 15 : i32
    %and3A_137 = vector.broadcast %and3A_136 : i32 to vector<16xi32>
    %and3A_138 = arith.andi %add3A_135, %and3A_137 : vector<16xi32>
    %add3A_139 = arith.constant 1 : i32
    %add3A_140 = vector.broadcast %add3A_139 : i32 to vector<16xi32>
    %add3A_141 = arith.addi %iota3A, %add3A_140 : vector<16xi32>
    %and3A_142 = arith.constant 15 : i32
    %and3A_143 = vector.broadcast %and3A_142 : i32 to vector<16xi32>
    %and3A_144 = arith.andi %add3A_141, %and3A_143 : vector<16xi32>
    %broadcast_in_dim3A = arith.constant 0.000000e+00 : f32
    %broadcast_in_dim3A_145 = vector.broadcast %broadcast_in_dim3A : f32 to vector<16xf32>
    %scan3A_146 = arith.constant 0 : i32
    %scan3A_147 = arith.constant 4 : i32
    %scan3A_148 = arith.addi %scan3A_146, %scan3A_147 : i32
    %scan3A_149 = arith.constant 1 : i32
    %scan3A_150 = scf.for %scan3A_155 = %scan3A_146 to %scan3A_148 step %scan3A_149 iter_args(%scan3A_156 = %broadcast_in_dim3A_145) -> (vector<16xf32>)  : i32 {
      %mul3A_157 = arith.constant 16 : i32
      %mul3A_158 = arith.muli %scan3A_155, %mul3A_157 : i32
      %get3A = arith.constant 0 : i32
      %get3A_159 = arith.index_cast %get3A : i32 to index
      %get3A_160 = arith.index_cast %mul3A_158 : i32 to index
      %get3A_161 = tpu.vector_load %arg6[%get3A_159, %get3A_160] {strides = array<i32>} : memref<3x64xf32, #tpu.memory_space<vmem>>, vector<1x16xf32>,
      %get3A_162 = vector.shape_cast %get3A_161 : vector<1x16xf32> to vector<16xf32>
      %mul3A_163 = arith.constant 16 : i32
      %mul3A_164 = arith.muli %scan3A_155, %mul3A_163 : i32
      %get3A_165 = arith.constant 1 : i32
      %get3A_166 = arith.index_cast %get3A_165 : i32 to index
      %get3A_167 = arith.index_cast %mul3A_164 : i32 to index
      %get3A_168 = tpu.vector_load %arg6[%get3A_166, %get3A_167] {strides = array<i32>} : memref<3x64xf32, #tpu.memory_space<vmem>>, vector<1x16xf32>,
      %get3A_169 = vector.shape_cast %get3A_168 : vector<1x16xf32> to vector<16xf32>
      %mul3A_170 = arith.constant 16 : i32
      %mul3A_171 = arith.muli %scan3A_155, %mul3A_170 : i32
      %get3A_172 = arith.constant 2 : i32
      %get3A_173 = arith.index_cast %get3A_172 : i32 to index
      %get3A_174 = arith.index_cast %mul3A_171 : i32 to index
      %get3A_175 = tpu.vector_load %arg6[%get3A_173, %get3A_174] {strides = array<i32>} : memref<3x64xf32, #tpu.memory_space<vmem>>, vector<1x16xf32>,
      %get3A_176 = vector.shape_cast %get3A_175 : vector<1x16xf32> to vector<16xf32>
      %broadcast_in_dim3A_177 = arith.constant 1.000000e+30 : f32
      %broadcast_in_dim3A_178 = vector.broadcast %broadcast_in_dim3A_177 : f32 to vector<16xf32>
      %broadcast_in_dim3A_179 = arith.constant 1.000000e+30 : f32
      %broadcast_in_dim3A_180 = vector.broadcast %broadcast_in_dim3A_179 : f32 to vector<16xf32>
      %broadcast_in_dim3A_181 = arith.constant 1.000000e+30 : f32
      %broadcast_in_dim3A_182 = vector.broadcast %broadcast_in_dim3A_181 : f32 to vector<16xf32>
      %broadcast_in_dim3A_183 = arith.constant 1.000000e+30 : f32
      %broadcast_in_dim3A_184 = vector.broadcast %broadcast_in_dim3A_183 : f32 to vector<16xf32>
      %broadcast_in_dim3A_185 = arith.constant 1.000000e+30 : f32
      %broadcast_in_dim3A_186 = vector.broadcast %broadcast_in_dim3A_185 : f32 to vector<16xf32>
      %broadcast_in_dim3A_187 = arith.constant 1.000000e+30 : f32
      %broadcast_in_dim3A_188 = vector.broadcast %broadcast_in_dim3A_187 : f32 to vector<16xf32>
      %broadcast_in_dim3A_189 = arith.constant 1.000000e+30 : f32
      %broadcast_in_dim3A_190 = vector.broadcast %broadcast_in_dim3A_189 : f32 to vector<16xf32>
      %broadcast_in_dim3A_191 = arith.constant 1.000000e+30 : f32
      %broadcast_in_dim3A_192 = vector.broadcast %broadcast_in_dim3A_191 : f32 to vector<16xf32>
      %broadcast_in_dim3A_193 = arith.constant 1.000000e+30 : f32
      %broadcast_in_dim3A_194 = vector.broadcast %broadcast_in_dim3A_193 : f32 to vector<16xf32>
      %broadcast_in_dim3A_195 = arith.constant 1.000000e+30 : f32
      %broadcast_in_dim3A_196 = vector.broadcast %broadcast_in_dim3A_195 : f32 to vector<16xf32>
      %broadcast_in_dim3A_197 = arith.constant 1.000000e+30 : f32
      %broadcast_in_dim3A_198 = vector.broadcast %broadcast_in_dim3A_197 : f32 to vector<16xf32>
      %broadcast_in_dim3A_199 = arith.constant 1.000000e+30 : f32
      %broadcast_in_dim3A_200 = vector.broadcast %broadcast_in_dim3A_199 : f32 to vector<16xf32>
      %broadcast_in_dim3A_201 = arith.constant 1.000000e+30 : f32
      %broadcast_in_dim3A_202 = vector.broadcast %broadcast_in_dim3A_201 : f32 to vector<16xf32>
      %broadcast_in_dim3A_203 = arith.constant 1.000000e+30 : f32
      %broadcast_in_dim3A_204 = vector.broadcast %broadcast_in_dim3A_203 : f32 to vector<16xf32>
      %broadcast_in_dim3A_205 = arith.constant 1.000000e+30 : f32
      %broadcast_in_dim3A_206 = vector.broadcast %broadcast_in_dim3A_205 : f32 to vector<16xf32>
      %broadcast_in_dim3A_207 = arith.constant 1.000000e+30 : f32
      %broadcast_in_dim3A_208 = vector.broadcast %broadcast_in_dim3A_207 : f32 to vector<16xf32>
      %scan3A_209 = arith.constant 0 : i32
      %scan3A_210 = arith.constant 128 : i32
      %scan3A_211 = arith.addi %scan3A_209, %scan3A_210 : i32
      %scan3A_212 = arith.constant 1 : i32
      %scan3A_213:16 = scf.for %scan3A_380 = %scan3A_209 to %scan3A_211 step %scan3A_212 iter_args(%scan3A_381 = %broadcast_in_dim3A_178, %scan3A_382 = %broadcast_in_dim3A_180, %scan3A_383 = %broadcast_in_dim3A_182, %scan3A_384 = %broadcast_in_dim3A_184, %scan3A_385 = %broadcast_in_dim3A_186, %scan3A_386 = %broadcast_in_dim3A_188, %scan3A_387 = %broadcast_in_dim3A_190, %scan3A_388 = %broadcast_in_dim3A_192, %scan3A_389 = %broadcast_in_dim3A_194, %scan3A_390 = %broadcast_in_dim3A_196, %scan3A_391 = %broadcast_in_dim3A_198, %scan3A_392 = %broadcast_in_dim3A_200, %scan3A_393 = %broadcast_in_dim3A_202, %scan3A_394 = %broadcast_in_dim3A_204, %scan3A_395 = %broadcast_in_dim3A_206, %scan3A_396 = %broadcast_in_dim3A_208) -> (vector<16xf32>, vector<16xf32>, vector<16xf32>, vector<16xf32>, vector<16xf32>, vector<16xf32>, vector<16xf32>, vector<16xf32>, vector<16xf32>, vector<16xf32>, vector<16xf32>, vector<16xf32>, vector<16xf32>, vector<16xf32>, vector<16xf32>, vector<16xf32>)  : i32 {
        %mul3A_397 = arith.constant 16 : i32
        %mul3A_398 = arith.muli %scan3A_380, %mul3A_397 : i32
        %get3A_399 = arith.constant 0 : i32
        %get3A_400 = arith.index_cast %get3A_399 : i32 to index
        %get3A_401 = arith.index_cast %mul3A_398 : i32 to index
        %get3A_402 = tpu.vector_load %arg7[%get3A_400, %get3A_401] {strides = array<i32>} : memref<3x2048xf32, #tpu.memory_space<vmem>>, vector<1x16xf32>,
        %get3A_403 = vector.shape_cast %get3A_402 : vector<1x16xf32> to vector<16xf32>
        %mul3A_404 = arith.constant 16 : i32
        %mul3A_405 = arith.muli %scan3A_380, %mul3A_404 : i32
        %get3A_406 = arith.constant 1 : i32
        %get3A_407 = arith.index_cast %get3A_406 : i32 to index
        %get3A_408 = arith.index_cast %mul3A_405 : i32 to index
        %get3A_409 = tpu.vector_load %arg7[%get3A_407, %get3A_408] {strides = array<i32>} : memref<3x2048xf32, #tpu.memory_space<vmem>>, vector<1x16xf32>,
        %get3A_410 = vector.shape_cast %get3A_409 : vector<1x16xf32> to vector<16xf32>
        %mul3A_411 = arith.constant 16 : i32
        %mul3A_412 = arith.muli %scan3A_380, %mul3A_411 : i32
        %get3A_413 = arith.constant 2 : i32
        %get3A_414 = arith.index_cast %get3A_413 : i32 to index
        %get3A_415 = arith.index_cast %mul3A_412 : i32 to index
        %get3A_416 = tpu.vector_load %arg7[%get3A_414, %get3A_415] {strides = array<i32>} : memref<3x2048xf32, #tpu.memory_space<vmem>>, vector<1x16xf32>,
        %get3A_417 = vector.shape_cast %get3A_416 : vector<1x16xf32> to vector<16xf32>
        %mul3A_418 = arith.constant 16 : i32
        %mul3A_419 = arith.muli %scan3A_380, %mul3A_418 : i32
        %get3A_420 = arith.index_cast %mul3A_419 : i32 to index
        %get3A_421 = tpu.vector_load %arg8[%get3A_420] {strides = array<i32>} : memref<2048xf32, #tpu.memory_space<vmem>>, vector<16xf32>,
        %get3A_422 = vector.shape_cast %get3A_421 : vector<16xf32> to vector<16xf32>
        %sub3A_423 = arith.subf %get3A_162, %get3A_403 : vector<16xf32>
        %sub3A_424 = arith.subf %get3A_169, %get3A_410 : vector<16xf32>
        %sub3A_425 = arith.subf %get3A_176, %get3A_417 : vector<16xf32>
        %mul3A_426 = arith.mulf %sub3A_423, %sub3A_423 : vector<16xf32>
        %mul3A_427 = arith.mulf %sub3A_424, %sub3A_424 : vector<16xf32>
        %add3A_428 = arith.addf %mul3A_426, %mul3A_427 : vector<16xf32>
        %mul3A_429 = arith.mulf %sub3A_425, %sub3A_425 : vector<16xf32>
        %add3A_430 = arith.addf %add3A_428, %mul3A_429 : vector<16xf32>
        %min3A_431 = arith.minimumf %scan3A_381, %add3A_430 : vector<16xf32>
        %min3A_432 = arith.minimumf %get3A_422, %add3A_430 : vector<16xf32>
        %lt3A_433 = arith.constant 0 : i32
        %lt3A_434 = vector.broadcast %lt3A_433 : i32 to vector<16xi32>
        %lt3A_435 = arith.cmpi slt, %and3A_48, %lt3A_434 : vector<16xi32>
        %add3A_436 = arith.constant 16 : i32
        %add3A_437 = vector.broadcast %add3A_436 : i32 to vector<16xi32>
        %add3A_438 = arith.addi %and3A_48, %add3A_437 : vector<16xi32>
        %select_n3A_439 = arith.select %lt3A_435, %add3A_438, %and3A_48 : vector<16xi1>, vector<16xi32>
        %reshape3A_440 = vector.shape_cast %select_n3A_439 : vector<16xi32> to vector<16x1xi32>
        %gather3A_441 = vector.shape_cast %reshape3A_440 : vector<16x1xi32> to vector<16xi32>
        %gather3A_442 = tpu.dynamic_gather %get3A_162[%gather3A_441] in [0] : vector<16xf32>, vector<16xi32> -> vector<16xf32>
        %lt3A_443 = arith.constant 0 : i32
        %lt3A_444 = vector.broadcast %lt3A_443 : i32 to vector<16xi32>
        %lt3A_445 = arith.cmpi slt, %and3A_48, %lt3A_444 : vector<16xi32>
        %add3A_446 = arith.constant 16 : i32
        %add3A_447 = vector.broadcast %add3A_446 : i32 to vector<16xi32>
        %add3A_448 = arith.addi %and3A_48, %add3A_447 : vector<16xi32>
        %select_n3A_449 = arith.select %lt3A_445, %add3A_448, %and3A_48 : vector<16xi1>, vector<16xi32>
        %reshape3A_450 = vector.shape_cast %select_n3A_449 : vector<16xi32> to vector<16x1xi32>
        %gather3A_451 = vector.shape_cast %reshape3A_450 : vector<16x1xi32> to vector<16xi32>
        %gather3A_452 = tpu.dynamic_gather %get3A_169[%gather3A_451] in [0] : vector<16xf32>, vector<16xi32> -> vector<16xf32>
        %lt3A_453 = arith.constant 0 : i32
        %lt3A_454 = vector.broadcast %lt3A_453 : i32 to vector<16xi32>
        %lt3A_455 = arith.cmpi slt, %and3A_48, %lt3A_454 : vector<16xi32>
        %add3A_456 = arith.constant 16 : i32
        %add3A_457 = vector.broadcast %add3A_456 : i32 to vector<16xi32>
        %add3A_458 = arith.addi %and3A_48, %add3A_457 : vector<16xi32>
        %select_n3A_459 = arith.select %lt3A_455, %add3A_458, %and3A_48 : vector<16xi1>, vector<16xi32>
        %reshape3A_460 = vector.shape_cast %select_n3A_459 : vector<16xi32> to vector<16x1xi32>
        %gather3A_461 = vector.shape_cast %reshape3A_460 : vector<16x1xi32> to vector<16xi32>
        %gather3A_462 = tpu.dynamic_gather %get3A_176[%gather3A_461] in [0] : vector<16xf32>, vector<16xi32> -> vector<16xf32>
        %sub3A_463 = arith.subf %gather3A_442, %get3A_403 : vector<16xf32>
        %sub3A_464 = arith.subf %gather3A_452, %get3A_410 : vector<16xf32>
        %sub3A_465 = arith.subf %gather3A_462, %get3A_417 : vector<16xf32>
        %mul3A_466 = arith.mulf %sub3A_463, %sub3A_463 : vector<16xf32>
        %mul3A_467 = arith.mulf %sub3A_464, %sub3A_464 : vector<16xf32>
        %add3A_468 = arith.addf %mul3A_466, %mul3A_467 : vector<16xf32>
        %mul3A_469 = arith.mulf %sub3A_465, %sub3A_465 : vector<16xf32>
        %add3A_470 = arith.addf %add3A_468, %mul3A_469 : vector<16xf32>
        %min3A_471 = arith.minimumf %scan3A_382, %add3A_470 : vector<16xf32>
        %min3A_472 = arith.minimumf %min3A_432, %add3A_470 : vector<16xf32>
        %lt3A_473 = arith.constant 0 : i32
        %lt3A_474 = vector.broadcast %lt3A_473 : i32 to vector<16xi32>
        %lt3A_475 = arith.cmpi slt, %and3A_48, %lt3A_474 : vector<16xi32>
        %add3A_476 = arith.constant 16 : i32
        %add3A_477 = vector.broadcast %add3A_476 : i32 to vector<16xi32>
        %add3A_478 = arith.addi %and3A_48, %add3A_477 : vector<16xi32>
        %select_n3A_479 = arith.select %lt3A_475, %add3A_478, %and3A_48 : vector<16xi1>, vector<16xi32>
        %reshape3A_480 = vector.shape_cast %select_n3A_479 : vector<16xi32> to vector<16x1xi32>
        %gather3A_481 = vector.shape_cast %reshape3A_480 : vector<16x1xi32> to vector<16xi32>
        %gather3A_482 = tpu.dynamic_gather %gather3A_442[%gather3A_481] in [0] : vector<16xf32>, vector<16xi32> -> vector<16xf32>
        %lt3A_483 = arith.constant 0 : i32
        %lt3A_484 = vector.broadcast %lt3A_483 : i32 to vector<16xi32>
        %lt3A_485 = arith.cmpi slt, %and3A_48, %lt3A_484 : vector<16xi32>
        %add3A_486 = arith.constant 16 : i32
        %add3A_487 = vector.broadcast %add3A_486 : i32 to vector<16xi32>
        %add3A_488 = arith.addi %and3A_48, %add3A_487 : vector<16xi32>
        %select_n3A_489 = arith.select %lt3A_485, %add3A_488, %and3A_48 : vector<16xi1>, vector<16xi32>
        %reshape3A_490 = vector.shape_cast %select_n3A_489 : vector<16xi32> to vector<16x1xi32>
        %gather3A_491 = vector.shape_cast %reshape3A_490 : vector<16x1xi32> to vector<16xi32>
        %gather3A_492 = tpu.dynamic_gather %gather3A_452[%gather3A_491] in [0] : vector<16xf32>, vector<16xi32> -> vector<16xf32>
        %lt3A_493 = arith.constant 0 : i32
        %lt3A_494 = vector.broadcast %lt3A_493 : i32 to vector<16xi32>
        %lt3A_495 = arith.cmpi slt, %and3A_48, %lt3A_494 : vector<16xi32>
        %add3A_496 = arith.constant 16 : i32
        %add3A_497 = vector.broadcast %add3A_496 : i32 to vector<16xi32>
        %add3A_498 = arith.addi %and3A_48, %add3A_497 : vector<16xi32>
        %select_n3A_499 = arith.select %lt3A_495, %add3A_498, %and3A_48 : vector<16xi1>, vector<16xi32>
        %reshape3A_500 = vector.shape_cast %select_n3A_499 : vector<16xi32> to vector<16x1xi32>
        %gather3A_501 = vector.shape_cast %reshape3A_500 : vector<16x1xi32> to vector<16xi32>
        %gather3A_502 = tpu.dynamic_gather %gather3A_462[%gather3A_501] in [0] : vector<16xf32>, vector<16xi32> -> vector<16xf32>
        %sub3A_503 = arith.subf %gather3A_482, %get3A_403 : vector<16xf32>
        %sub3A_504 = arith.subf %gather3A_492, %get3A_410 : vector<16xf32>
        %sub3A_505 = arith.subf %gather3A_502, %get3A_417 : vector<16xf32>
        %mul3A_506 = arith.mulf %sub3A_503, %sub3A_503 : vector<16xf32>
        %mul3A_507 = arith.mulf %sub3A_504, %sub3A_504 : vector<16xf32>
        %add3A_508 = arith.addf %mul3A_506, %mul3A_507 : vector<16xf32>
        %mul3A_509 = arith.mulf %sub3A_505, %sub3A_505 : vector<16xf32>
        %add3A_510 = arith.addf %add3A_508, %mul3A_509 : vector<16xf32>
        %min3A_511 = arith.minimumf %scan3A_383, %add3A_510 : vector<16xf32>
        %min3A_512 = arith.minimumf %min3A_472, %add3A_510 : vector<16xf32>
        %lt3A_513 = arith.constant 0 : i32
        %lt3A_514 = vector.broadcast %lt3A_513 : i32 to vector<16xi32>
        %lt3A_515 = arith.cmpi slt, %and3A_48, %lt3A_514 : vector<16xi32>
        %add3A_516 = arith.constant 16 : i32
        %add3A_517 = vector.broadcast %add3A_516 : i32 to vector<16xi32>
        %add3A_518 = arith.addi %and3A_48, %add3A_517 : vector<16xi32>
        %select_n3A_519 = arith.select %lt3A_515, %add3A_518, %and3A_48 : vector<16xi1>, vector<16xi32>
        %reshape3A_520 = vector.shape_cast %select_n3A_519 : vector<16xi32> to vector<16x1xi32>
        %gather3A_521 = vector.shape_cast %reshape3A_520 : vector<16x1xi32> to vector<16xi32>
        %gather3A_522 = tpu.dynamic_gather %gather3A_482[%gather3A_521] in [0] : vector<16xf32>, vector<16xi32> -> vector<16xf32>
        %lt3A_523 = arith.constant 0 : i32
        %lt3A_524 = vector.broadcast %lt3A_523 : i32 to vector<16xi32>
        %lt3A_525 = arith.cmpi slt, %and3A_48, %lt3A_524 : vector<16xi32>
        %add3A_526 = arith.constant 16 : i32
        %add3A_527 = vector.broadcast %add3A_526 : i32 to vector<16xi32>
        %add3A_528 = arith.addi %and3A_48, %add3A_527 : vector<16xi32>
        %select_n3A_529 = arith.select %lt3A_525, %add3A_528, %and3A_48 : vector<16xi1>, vector<16xi32>
        %reshape3A_530 = vector.shape_cast %select_n3A_529 : vector<16xi32> to vector<16x1xi32>
        %gather3A_531 = vector.shape_cast %reshape3A_530 : vector<16x1xi32> to vector<16xi32>
        %gather3A_532 = tpu.dynamic_gather %gather3A_492[%gather3A_531] in [0] : vector<16xf32>, vector<16xi32> -> vector<16xf32>
        %lt3A_533 = arith.constant 0 : i32
        %lt3A_534 = vector.broadcast %lt3A_533 : i32 to vector<16xi32>
        %lt3A_535 = arith.cmpi slt, %and3A_48, %lt3A_534 : vector<16xi32>
        %add3A_536 = arith.constant 16 : i32
        %add3A_537 = vector.broadcast %add3A_536 : i32 to vector<16xi32>
        %add3A_538 = arith.addi %and3A_48, %add3A_537 : vector<16xi32>
        %select_n3A_539 = arith.select %lt3A_535, %add3A_538, %and3A_48 : vector<16xi1>, vector<16xi32>
        %reshape3A_540 = vector.shape_cast %select_n3A_539 : vector<16xi32> to vector<16x1xi32>
        %gather3A_541 = vector.shape_cast %reshape3A_540 : vector<16x1xi32> to vector<16xi32>
        %gather3A_542 = tpu.dynamic_gather %gather3A_502[%gather3A_541] in [0] : vector<16xf32>, vector<16xi32> -> vector<16xf32>
        %sub3A_543 = arith.subf %gather3A_522, %get3A_403 : vector<16xf32>
        %sub3A_544 = arith.subf %gather3A_532, %get3A_410 : vector<16xf32>
        %sub3A_545 = arith.subf %gather3A_542, %get3A_417 : vector<16xf32>
        %mul3A_546 = arith.mulf %sub3A_543, %sub3A_543 : vector<16xf32>
        %mul3A_547 = arith.mulf %sub3A_544, %sub3A_544 : vector<16xf32>
        %add3A_548 = arith.addf %mul3A_546, %mul3A_547 : vector<16xf32>
        %mul3A_549 = arith.mulf %sub3A_545, %sub3A_545 : vector<16xf32>
        %add3A_550 = arith.addf %add3A_548, %mul3A_549 : vector<16xf32>
        %min3A_551 = arith.minimumf %scan3A_384, %add3A_550 : vector<16xf32>
        %min3A_552 = arith.minimumf %min3A_512, %add3A_550 : vector<16xf32>
        %lt3A_553 = arith.constant 0 : i32
        %lt3A_554 = vector.broadcast %lt3A_553 : i32 to vector<16xi32>
        %lt3A_555 = arith.cmpi slt, %and3A_48, %lt3A_554 : vector<16xi32>
        %add3A_556 = arith.constant 16 : i32
        %add3A_557 = vector.broadcast %add3A_556 : i32 to vector<16xi32>
        %add3A_558 = arith.addi %and3A_48, %add3A_557 : vector<16xi32>
        %select_n3A_559 = arith.select %lt3A_555, %add3A_558, %and3A_48 : vector<16xi1>, vector<16xi32>
        %reshape3A_560 = vector.shape_cast %select_n3A_559 : vector<16xi32> to vector<16x1xi32>
        %gather3A_561 = vector.shape_cast %reshape3A_560 : vector<16x1xi32> to vector<16xi32>
        %gather3A_562 = tpu.dynamic_gather %gather3A_522[%gather3A_561] in [0] : vector<16xf32>, vector<16xi32> -> vector<16xf32>
        %lt3A_563 = arith.constant 0 : i32
        %lt3A_564 = vector.broadcast %lt3A_563 : i32 to vector<16xi32>
        %lt3A_565 = arith.cmpi slt, %and3A_48, %lt3A_564 : vector<16xi32>
        %add3A_566 = arith.constant 16 : i32
        %add3A_567 = vector.broadcast %add3A_566 : i32 to vector<16xi32>
        %add3A_568 = arith.addi %and3A_48, %add3A_567 : vector<16xi32>
        %select_n3A_569 = arith.select %lt3A_565, %add3A_568, %and3A_48 : vector<16xi1>, vector<16xi32>
        %reshape3A_570 = vector.shape_cast %select_n3A_569 : vector<16xi32> to vector<16x1xi32>
        %gather3A_571 = vector.shape_cast %reshape3A_570 : vector<16x1xi32> to vector<16xi32>
        %gather3A_572 = tpu.dynamic_gather %gather3A_532[%gather3A_571] in [0] : vector<16xf32>, vector<16xi32> -> vector<16xf32>
        %lt3A_573 = arith.constant 0 : i32
        %lt3A_574 = vector.broadcast %lt3A_573 : i32 to vector<16xi32>
        %lt3A_575 = arith.cmpi slt, %and3A_48, %lt3A_574 : vector<16xi32>
        %add3A_576 = arith.constant 16 : i32
        %add3A_577 = vector.broadcast %add3A_576 : i32 to vector<16xi32>
        %add3A_578 = arith.addi %and3A_48, %add3A_577 : vector<16xi32>
        %select_n3A_579 = arith.select %lt3A_575, %add3A_578, %and3A_48 : vector<16xi1>, vector<16xi32>
        %reshape3A_580 = vector.shape_cast %select_n3A_579 : vector<16xi32> to vector<16x1xi32>
        %gather3A_581 = vector.shape_cast %reshape3A_580 : vector<16x1xi32> to vector<16xi32>
        %gather3A_582 = tpu.dynamic_gather %gather3A_542[%gather3A_581] in [0] : vector<16xf32>, vector<16xi32> -> vector<16xf32>
        %sub3A_583 = arith.subf %gather3A_562, %get3A_403 : vector<16xf32>
        %sub3A_584 = arith.subf %gather3A_572, %get3A_410 : vector<16xf32>
        %sub3A_585 = arith.subf %gather3A_582, %get3A_417 : vector<16xf32>
        %mul3A_586 = arith.mulf %sub3A_583, %sub3A_583 : vector<16xf32>
        %mul3A_587 = arith.mulf %sub3A_584, %sub3A_584 : vector<16xf32>
        %add3A_588 = arith.addf %mul3A_586, %mul3A_587 : vector<16xf32>
        %mul3A_589 = arith.mulf %sub3A_585, %sub3A_585 : vector<16xf32>
        %add3A_590 = arith.addf %add3A_588, %mul3A_589 : vector<16xf32>
        %min3A_591 = arith.minimumf %scan3A_385, %add3A_590 : vector<16xf32>
        %min3A_592 = arith.minimumf %min3A_552, %add3A_590 : vector<16xf32>
        %lt3A_593 = arith.constant 0 : i32
        %lt3A_594 = vector.broadcast %lt3A_593 : i32 to vector<16xi32>
        %lt3A_595 = arith.cmpi slt, %and3A_48, %lt3A_594 : vector<16xi32>
        %add3A_596 = arith.constant 16 : i32
        %add3A_597 = vector.broadcast %add3A_596 : i32 to vector<16xi32>
        %add3A_598 = arith.addi %and3A_48, %add3A_597 : vector<16xi32>
        %select_n3A_599 = arith.select %lt3A_595, %add3A_598, %and3A_48 : vector<16xi1>, vector<16xi32>
        %reshape3A_600 = vector.shape_cast %select_n3A_599 : vector<16xi32> to vector<16x1xi32>
        %gather3A_601 = vector.shape_cast %reshape3A_600 : vector<16x1xi32> to vector<16xi32>
        %gather3A_602 = tpu.dynamic_gather %gather3A_562[%gather3A_601] in [0] : vector<16xf32>, vector<16xi32> -> vector<16xf32>
        %lt3A_603 = arith.constant 0 : i32
        %lt3A_604 = vector.broadcast %lt3A_603 : i32 to vector<16xi32>
        %lt3A_605 = arith.cmpi slt, %and3A_48, %lt3A_604 : vector<16xi32>
        %add3A_606 = arith.constant 16 : i32
        %add3A_607 = vector.broadcast %add3A_606 : i32 to vector<16xi32>
        %add3A_608 = arith.addi %and3A_48, %add3A_607 : vector<16xi32>
        %select_n3A_609 = arith.select %lt3A_605, %add3A_608, %and3A_48 : vector<16xi1>, vector<16xi32>
        %reshape3A_610 = vector.shape_cast %select_n3A_609 : vector<16xi32> to vector<16x1xi32>
        %gather3A_611 = vector.shape_cast %reshape3A_610 : vector<16x1xi32> to vector<16xi32>
        %gather3A_612 = tpu.dynamic_gather %gather3A_572[%gather3A_611] in [0] : vector<16xf32>, vector<16xi32> -> vector<16xf32>
        %lt3A_613 = arith.constant 0 : i32
        %lt3A_614 = vector.broadcast %lt3A_613 : i32 to vector<16xi32>
        %lt3A_615 = arith.cmpi slt, %and3A_48, %lt3A_614 : vector<16xi32>
        %add3A_616 = arith.constant 16 : i32
        %add3A_617 = vector.broadcast %add3A_616 : i32 to vector<16xi32>
        %add3A_618 = arith.addi %and3A_48, %add3A_617 : vector<16xi32>
        %select_n3A_619 = arith.select %lt3A_615, %add3A_618, %and3A_48 : vector<16xi1>, vector<16xi32>
        %reshape3A_620 = vector.shape_cast %select_n3A_619 : vector<16xi32> to vector<16x1xi32>
        %gather3A_621 = vector.shape_cast %reshape3A_620 : vector<16x1xi32> to vector<16xi32>
        %gather3A_622 = tpu.dynamic_gather %gather3A_582[%gather3A_621] in [0] : vector<16xf32>, vector<16xi32> -> vector<16xf32>
        %sub3A_623 = arith.subf %gather3A_602, %get3A_403 : vector<16xf32>
        %sub3A_624 = arith.subf %gather3A_612, %get3A_410 : vector<16xf32>
        %sub3A_625 = arith.subf %gather3A_622, %get3A_417 : vector<16xf32>
        %mul3A_626 = arith.mulf %sub3A_623, %sub3A_623 : vector<16xf32>
        %mul3A_627 = arith.mulf %sub3A_624, %sub3A_624 : vector<16xf32>
        %add3A_628 = arith.addf %mul3A_626, %mul3A_627 : vector<16xf32>
        %mul3A_629 = arith.mulf %sub3A_625, %sub3A_625 : vector<16xf32>
        %add3A_630 = arith.addf %add3A_628, %mul3A_629 : vector<16xf32>
        %min3A_631 = arith.minimumf %scan3A_386, %add3A_630 : vector<16xf32>
        %min3A_632 = arith.minimumf %min3A_592, %add3A_630 : vector<16xf32>
        %lt3A_633 = arith.constant 0 : i32
        %lt3A_634 = vector.broadcast %lt3A_633 : i32 to vector<16xi32>
        %lt3A_635 = arith.cmpi slt, %and3A_48, %lt3A_634 : vector<16xi32>
        %add3A_636 = arith.constant 16 : i32
        %add3A_637 = vector.broadcast %add3A_636 : i32 to vector<16xi32>
        %add3A_638 = arith.addi %and3A_48, %add3A_637 : vector<16xi32>
        %select_n3A_639 = arith.select %lt3A_635, %add3A_638, %and3A_48 : vector<16xi1>, vector<16xi32>
        %reshape3A_640 = vector.shape_cast %select_n3A_639 : vector<16xi32> to vector<16x1xi32>
        %gather3A_641 = vector.shape_cast %reshape3A_640 : vector<16x1xi32> to vector<16xi32>
        %gather3A_642 = tpu.dynamic_gather %gather3A_602[%gather3A_641] in [0] : vector<16xf32>, vector<16xi32> -> vector<16xf32>
        %lt3A_643 = arith.constant 0 : i32
        %lt3A_644 = vector.broadcast %lt3A_643 : i32 to vector<16xi32>
        %lt3A_645 = arith.cmpi slt, %and3A_48, %lt3A_644 : vector<16xi32>
        %add3A_646 = arith.constant 16 : i32
        %add3A_647 = vector.broadcast %add3A_646 : i32 to vector<16xi32>
        %add3A_648 = arith.addi %and3A_48, %add3A_647 : vector<16xi32>
        %select_n3A_649 = arith.select %lt3A_645, %add3A_648, %and3A_48 : vector<16xi1>, vector<16xi32>
        %reshape3A_650 = vector.shape_cast %select_n3A_649 : vector<16xi32> to vector<16x1xi32>
        %gather3A_651 = vector.shape_cast %reshape3A_650 : vector<16x1xi32> to vector<16xi32>
        %gather3A_652 = tpu.dynamic_gather %gather3A_612[%gather3A_651] in [0] : vector<16xf32>, vector<16xi32> -> vector<16xf32>
        %lt3A_653 = arith.constant 0 : i32
        %lt3A_654 = vector.broadcast %lt3A_653 : i32 to vector<16xi32>
        %lt3A_655 = arith.cmpi slt, %and3A_48, %lt3A_654 : vector<16xi32>
        %add3A_656 = arith.constant 16 : i32
        %add3A_657 = vector.broadcast %add3A_656 : i32 to vector<16xi32>
        %add3A_658 = arith.addi %and3A_48, %add3A_657 : vector<16xi32>
        %select_n3A_659 = arith.select %lt3A_655, %add3A_658, %and3A_48 : vector<16xi1>, vector<16xi32>
        %reshape3A_660 = vector.shape_cast %select_n3A_659 : vector<16xi32> to vector<16x1xi32>
        %gather3A_661 = vector.shape_cast %reshape3A_660 : vector<16x1xi32> to vector<16xi32>
        %gather3A_662 = tpu.dynamic_gather %gather3A_622[%gather3A_661] in [0] : vector<16xf32>, vector<16xi32> -> vector<16xf32>
        %sub3A_663 = arith.subf %gather3A_642, %get3A_403 : vector<16xf32>
        %sub3A_664 = arith.subf %gather3A_652, %get3A_410 : vector<16xf32>
        %sub3A_665 = arith.subf %gather3A_662, %get3A_417 : vector<16xf32>
        %mul3A_666 = arith.mulf %sub3A_663, %sub3A_663 : vector<16xf32>
        %mul3A_667 = arith.mulf %sub3A_664, %sub3A_664 : vector<16xf32>
        %add3A_668 = arith.addf %mul3A_666, %mul3A_667 : vector<16xf32>
        %mul3A_669 = arith.mulf %sub3A_665, %sub3A_665 : vector<16xf32>
        %add3A_670 = arith.addf %add3A_668, %mul3A_669 : vector<16xf32>
        %min3A_671 = arith.minimumf %scan3A_387, %add3A_670 : vector<16xf32>
        %min3A_672 = arith.minimumf %min3A_632, %add3A_670 : vector<16xf32>
        %lt3A_673 = arith.constant 0 : i32
        %lt3A_674 = vector.broadcast %lt3A_673 : i32 to vector<16xi32>
        %lt3A_675 = arith.cmpi slt, %and3A_48, %lt3A_674 : vector<16xi32>
        %add3A_676 = arith.constant 16 : i32
        %add3A_677 = vector.broadcast %add3A_676 : i32 to vector<16xi32>
        %add3A_678 = arith.addi %and3A_48, %add3A_677 : vector<16xi32>
        %select_n3A_679 = arith.select %lt3A_675, %add3A_678, %and3A_48 : vector<16xi1>, vector<16xi32>
        %reshape3A_680 = vector.shape_cast %select_n3A_679 : vector<16xi32> to vector<16x1xi32>
        %gather3A_681 = vector.shape_cast %reshape3A_680 : vector<16x1xi32> to vector<16xi32>
        %gather3A_682 = tpu.dynamic_gather %gather3A_642[%gather3A_681] in [0] : vector<16xf32>, vector<16xi32> -> vector<16xf32>
        %lt3A_683 = arith.constant 0 : i32
        %lt3A_684 = vector.broadcast %lt3A_683 : i32 to vector<16xi32>
        %lt3A_685 = arith.cmpi slt, %and3A_48, %lt3A_684 : vector<16xi32>
        %add3A_686 = arith.constant 16 : i32
        %add3A_687 = vector.broadcast %add3A_686 : i32 to vector<16xi32>
        %add3A_688 = arith.addi %and3A_48, %add3A_687 : vector<16xi32>
        %select_n3A_689 = arith.select %lt3A_685, %add3A_688, %and3A_48 : vector<16xi1>, vector<16xi32>
        %reshape3A_690 = vector.shape_cast %select_n3A_689 : vector<16xi32> to vector<16x1xi32>
        %gather3A_691 = vector.shape_cast %reshape3A_690 : vector<16x1xi32> to vector<16xi32>
        %gather3A_692 = tpu.dynamic_gather %gather3A_652[%gather3A_691] in [0] : vector<16xf32>, vector<16xi32> -> vector<16xf32>
        %lt3A_693 = arith.constant 0 : i32
        %lt3A_694 = vector.broadcast %lt3A_693 : i32 to vector<16xi32>
        %lt3A_695 = arith.cmpi slt, %and3A_48, %lt3A_694 : vector<16xi32>
        %add3A_696 = arith.constant 16 : i32
        %add3A_697 = vector.broadcast %add3A_696 : i32 to vector<16xi32>
        %add3A_698 = arith.addi %and3A_48, %add3A_697 : vector<16xi32>
        %select_n3A_699 = arith.select %lt3A_695, %add3A_698, %and3A_48 : vector<16xi1>, vector<16xi32>
        %reshape3A_700 = vector.shape_cast %select_n3A_699 : vector<16xi32> to vector<16x1xi32>
        %gather3A_701 = vector.shape_cast %reshape3A_700 : vector<16x1xi32> to vector<16xi32>
        %gather3A_702 = tpu.dynamic_gather %gather3A_662[%gather3A_701] in [0] : vector<16xf32>, vector<16xi32> -> vector<16xf32>
        %sub3A_703 = arith.subf %gather3A_682, %get3A_403 : vector<16xf32>
        %sub3A_704 = arith.subf %gather3A_692, %get3A_410 : vector<16xf32>
        %sub3A_705 = arith.subf %gather3A_702, %get3A_417 : vector<16xf32>
        %mul3A_706 = arith.mulf %sub3A_703, %sub3A_703 : vector<16xf32>
        %mul3A_707 = arith.mulf %sub3A_704, %sub3A_704 : vector<16xf32>
        %add3A_708 = arith.addf %mul3A_706, %mul3A_707 : vector<16xf32>
        %mul3A_709 = arith.mulf %sub3A_705, %sub3A_705 : vector<16xf32>
        %add3A_710 = arith.addf %add3A_708, %mul3A_709 : vector<16xf32>
        %min3A_711 = arith.minimumf %scan3A_388, %add3A_710 : vector<16xf32>
        %min3A_712 = arith.minimumf %min3A_672, %add3A_710 : vector<16xf32>
        %lt3A_713 = arith.constant 0 : i32
        %lt3A_714 = vector.broadcast %lt3A_713 : i32 to vector<16xi32>
        %lt3A_715 = arith.cmpi slt, %and3A_48, %lt3A_714 : vector<16xi32>
        %add3A_716 = arith.constant 16 : i32
        %add3A_717 = vector.broadcast %add3A_716 : i32 to vector<16xi32>
        %add3A_718 = arith.addi %and3A_48, %add3A_717 : vector<16xi32>
        %select_n3A_719 = arith.select %lt3A_715, %add3A_718, %and3A_48 : vector<16xi1>, vector<16xi32>
        %reshape3A_720 = vector.shape_cast %select_n3A_719 : vector<16xi32> to vector<16x1xi32>
        %gather3A_721 = vector.shape_cast %reshape3A_720 : vector<16x1xi32> to vector<16xi32>
        %gather3A_722 = tpu.dynamic_gather %gather3A_682[%gather3A_721] in [0] : vector<16xf32>, vector<16xi32> -> vector<16xf32>
        %lt3A_723 = arith.constant 0 : i32
        %lt3A_724 = vector.broadcast %lt3A_723 : i32 to vector<16xi32>
        %lt3A_725 = arith.cmpi slt, %and3A_48, %lt3A_724 : vector<16xi32>
        %add3A_726 = arith.constant 16 : i32
        %add3A_727 = vector.broadcast %add3A_726 : i32 to vector<16xi32>
        %add3A_728 = arith.addi %and3A_48, %add3A_727 : vector<16xi32>
        %select_n3A_729 = arith.select %lt3A_725, %add3A_728, %and3A_48 : vector<16xi1>, vector<16xi32>
        %reshape3A_730 = vector.shape_cast %select_n3A_729 : vector<16xi32> to vector<16x1xi32>
        %gather3A_731 = vector.shape_cast %reshape3A_730 : vector<16x1xi32> to vector<16xi32>
        %gather3A_732 = tpu.dynamic_gather %gather3A_692[%gather3A_731] in [0] : vector<16xf32>, vector<16xi32> -> vector<16xf32>
        %lt3A_733 = arith.constant 0 : i32
        %lt3A_734 = vector.broadcast %lt3A_733 : i32 to vector<16xi32>
        %lt3A_735 = arith.cmpi slt, %and3A_48, %lt3A_734 : vector<16xi32>
        %add3A_736 = arith.constant 16 : i32
        %add3A_737 = vector.broadcast %add3A_736 : i32 to vector<16xi32>
        %add3A_738 = arith.addi %and3A_48, %add3A_737 : vector<16xi32>
        %select_n3A_739 = arith.select %lt3A_735, %add3A_738, %and3A_48 : vector<16xi1>, vector<16xi32>
        %reshape3A_740 = vector.shape_cast %select_n3A_739 : vector<16xi32> to vector<16x1xi32>
        %gather3A_741 = vector.shape_cast %reshape3A_740 : vector<16x1xi32> to vector<16xi32>
        %gather3A_742 = tpu.dynamic_gather %gather3A_702[%gather3A_741] in [0] : vector<16xf32>, vector<16xi32> -> vector<16xf32>
        %sub3A_743 = arith.subf %gather3A_722, %get3A_403 : vector<16xf32>
        %sub3A_744 = arith.subf %gather3A_732, %get3A_410 : vector<16xf32>
        %sub3A_745 = arith.subf %gather3A_742, %get3A_417 : vector<16xf32>
        %mul3A_746 = arith.mulf %sub3A_743, %sub3A_743 : vector<16xf32>
        %mul3A_747 = arith.mulf %sub3A_744, %sub3A_744 : vector<16xf32>
        %add3A_748 = arith.addf %mul3A_746, %mul3A_747 : vector<16xf32>
        %mul3A_749 = arith.mulf %sub3A_745, %sub3A_745 : vector<16xf32>
        %add3A_750 = arith.addf %add3A_748, %mul3A_749 : vector<16xf32>
        %min3A_751 = arith.minimumf %scan3A_389, %add3A_750 : vector<16xf32>
        %min3A_752 = arith.minimumf %min3A_712, %add3A_750 : vector<16xf32>
        %lt3A_753 = arith.constant 0 : i32
        %lt3A_754 = vector.broadcast %lt3A_753 : i32 to vector<16xi32>
        %lt3A_755 = arith.cmpi slt, %and3A_48, %lt3A_754 : vector<16xi32>
        %add3A_756 = arith.constant 16 : i32
        %add3A_757 = vector.broadcast %add3A_756 : i32 to vector<16xi32>
        %add3A_758 = arith.addi %and3A_48, %add3A_757 : vector<16xi32>
        %select_n3A_759 = arith.select %lt3A_755, %add3A_758, %and3A_48 : vector<16xi1>, vector<16xi32>
        %reshape3A_760 = vector.shape_cast %select_n3A_759 : vector<16xi32> to vector<16x1xi32>
        %gather3A_761 = vector.shape_cast %reshape3A_760 : vector<16x1xi32> to vector<16xi32>
        %gather3A_762 = tpu.dynamic_gather %gather3A_722[%gather3A_761] in [0] : vector<16xf32>, vector<16xi32> -> vector<16xf32>
        %lt3A_763 = arith.constant 0 : i32
        %lt3A_764 = vector.broadcast %lt3A_763 : i32 to vector<16xi32>
        %lt3A_765 = arith.cmpi slt, %and3A_48, %lt3A_764 : vector<16xi32>
        %add3A_766 = arith.constant 16 : i32
        %add3A_767 = vector.broadcast %add3A_766 : i32 to vector<16xi32>
        %add3A_768 = arith.addi %and3A_48, %add3A_767 : vector<16xi32>
        %select_n3A_769 = arith.select %lt3A_765, %add3A_768, %and3A_48 : vector<16xi1>, vector<16xi32>
        %reshape3A_770 = vector.shape_cast %select_n3A_769 : vector<16xi32> to vector<16x1xi32>
        %gather3A_771 = vector.shape_cast %reshape3A_770 : vector<16x1xi32> to vector<16xi32>
        %gather3A_772 = tpu.dynamic_gather %gather3A_732[%gather3A_771] in [0] : vector<16xf32>, vector<16xi32> -> vector<16xf32>
        %lt3A_773 = arith.constant 0 : i32
        %lt3A_774 = vector.broadcast %lt3A_773 : i32 to vector<16xi32>
        %lt3A_775 = arith.cmpi slt, %and3A_48, %lt3A_774 : vector<16xi32>
        %add3A_776 = arith.constant 16 : i32
        %add3A_777 = vector.broadcast %add3A_776 : i32 to vector<16xi32>
        %add3A_778 = arith.addi %and3A_48, %add3A_777 : vector<16xi32>
        %select_n3A_779 = arith.select %lt3A_775, %add3A_778, %and3A_48 : vector<16xi1>, vector<16xi32>
        %reshape3A_780 = vector.shape_cast %select_n3A_779 : vector<16xi32> to vector<16x1xi32>
        %gather3A_781 = vector.shape_cast %reshape3A_780 : vector<16x1xi32> to vector<16xi32>
        %gather3A_782 = tpu.dynamic_gather %gather3A_742[%gather3A_781] in [0] : vector<16xf32>, vector<16xi32> -> vector<16xf32>
        %sub3A_783 = arith.subf %gather3A_762, %get3A_403 : vector<16xf32>
        %sub3A_784 = arith.subf %gather3A_772, %get3A_410 : vector<16xf32>
        %sub3A_785 = arith.subf %gather3A_782, %get3A_417 : vector<16xf32>
        %mul3A_786 = arith.mulf %sub3A_783, %sub3A_783 : vector<16xf32>
        %mul3A_787 = arith.mulf %sub3A_784, %sub3A_784 : vector<16xf32>
        %add3A_788 = arith.addf %mul3A_786, %mul3A_787 : vector<16xf32>
        %mul3A_789 = arith.mulf %sub3A_785, %sub3A_785 : vector<16xf32>
        %add3A_790 = arith.addf %add3A_788, %mul3A_789 : vector<16xf32>
        %min3A_791 = arith.minimumf %scan3A_390, %add3A_790 : vector<16xf32>
        %min3A_792 = arith.minimumf %min3A_752, %add3A_790 : vector<16xf32>
        %lt3A_793 = arith.constant 0 : i32
        %lt3A_794 = vector.broadcast %lt3A_793 : i32 to vector<16xi32>
        %lt3A_795 = arith.cmpi slt, %and3A_48, %lt3A_794 : vector<16xi32>
        %add3A_796 = arith.constant 16 : i32
        %add3A_797 = vector.broadcast %add3A_796 : i32 to vector<16xi32>
        %add3A_798 = arith.addi %and3A_48, %add3A_797 : vector<16xi32>
        %select_n3A_799 = arith.select %lt3A_795, %add3A_798, %and3A_48 : vector<16xi1>, vector<16xi32>
        %reshape3A_800 = vector.shape_cast %select_n3A_799 : vector<16xi32> to vector<16x1xi32>
        %gather3A_801 = vector.shape_cast %reshape3A_800 : vector<16x1xi32> to vector<16xi32>
        %gather3A_802 = tpu.dynamic_gather %gather3A_762[%gather3A_801] in [0] : vector<16xf32>, vector<16xi32> -> vector<16xf32>
        %lt3A_803 = arith.constant 0 : i32
        %lt3A_804 = vector.broadcast %lt3A_803 : i32 to vector<16xi32>
        %lt3A_805 = arith.cmpi slt, %and3A_48, %lt3A_804 : vector<16xi32>
        %add3A_806 = arith.constant 16 : i32
        %add3A_807 = vector.broadcast %add3A_806 : i32 to vector<16xi32>
        %add3A_808 = arith.addi %and3A_48, %add3A_807 : vector<16xi32>
        %select_n3A_809 = arith.select %lt3A_805, %add3A_808, %and3A_48 : vector<16xi1>, vector<16xi32>
        %reshape3A_810 = vector.shape_cast %select_n3A_809 : vector<16xi32> to vector<16x1xi32>
        %gather3A_811 = vector.shape_cast %reshape3A_810 : vector<16x1xi32> to vector<16xi32>
        %gather3A_812 = tpu.dynamic_gather %gather3A_772[%gather3A_811] in [0] : vector<16xf32>, vector<16xi32> -> vector<16xf32>
        %lt3A_813 = arith.constant 0 : i32
        %lt3A_814 = vector.broadcast %lt3A_813 : i32 to vector<16xi32>
        %lt3A_815 = arith.cmpi slt, %and3A_48, %lt3A_814 : vector<16xi32>
        %add3A_816 = arith.constant 16 : i32
        %add3A_817 = vector.broadcast %add3A_816 : i32 to vector<16xi32>
        %add3A_818 = arith.addi %and3A_48, %add3A_817 : vector<16xi32>
        %select_n3A_819 = arith.select %lt3A_815, %add3A_818, %and3A_48 : vector<16xi1>, vector<16xi32>
        %reshape3A_820 = vector.shape_cast %select_n3A_819 : vector<16xi32> to vector<16x1xi32>
        %gather3A_821 = vector.shape_cast %reshape3A_820 : vector<16x1xi32> to vector<16xi32>
        %gather3A_822 = tpu.dynamic_gather %gather3A_782[%gather3A_821] in [0] : vector<16xf32>, vector<16xi32> -> vector<16xf32>
        %sub3A_823 = arith.subf %gather3A_802, %get3A_403 : vector<16xf32>
        %sub3A_824 = arith.subf %gather3A_812, %get3A_410 : vector<16xf32>
        %sub3A_825 = arith.subf %gather3A_822, %get3A_417 : vector<16xf32>
        %mul3A_826 = arith.mulf %sub3A_823, %sub3A_823 : vector<16xf32>
        %mul3A_827 = arith.mulf %sub3A_824, %sub3A_824 : vector<16xf32>
        %add3A_828 = arith.addf %mul3A_826, %mul3A_827 : vector<16xf32>
        %mul3A_829 = arith.mulf %sub3A_825, %sub3A_825 : vector<16xf32>
        %add3A_830 = arith.addf %add3A_828, %mul3A_829 : vector<16xf32>
        %min3A_831 = arith.minimumf %scan3A_391, %add3A_830 : vector<16xf32>
        %min3A_832 = arith.minimumf %min3A_792, %add3A_830 : vector<16xf32>
        %lt3A_833 = arith.constant 0 : i32
        %lt3A_834 = vector.broadcast %lt3A_833 : i32 to vector<16xi32>
        %lt3A_835 = arith.cmpi slt, %and3A_48, %lt3A_834 : vector<16xi32>
        %add3A_836 = arith.constant 16 : i32
        %add3A_837 = vector.broadcast %add3A_836 : i32 to vector<16xi32>
        %add3A_838 = arith.addi %and3A_48, %add3A_837 : vector<16xi32>
        %select_n3A_839 = arith.select %lt3A_835, %add3A_838, %and3A_48 : vector<16xi1>, vector<16xi32>
        %reshape3A_840 = vector.shape_cast %select_n3A_839 : vector<16xi32> to vector<16x1xi32>
        %gather3A_841 = vector.shape_cast %reshape3A_840 : vector<16x1xi32> to vector<16xi32>
        %gather3A_842 = tpu.dynamic_gather %gather3A_802[%gather3A_841] in [0] : vector<16xf32>, vector<16xi32> -> vector<16xf32>
        %lt3A_843 = arith.constant 0 : i32
        %lt3A_844 = vector.broadcast %lt3A_843 : i32 to vector<16xi32>
        %lt3A_845 = arith.cmpi slt, %and3A_48, %lt3A_844 : vector<16xi32>
        %add3A_846 = arith.constant 16 : i32
        %add3A_847 = vector.broadcast %add3A_846 : i32 to vector<16xi32>
        %add3A_848 = arith.addi %and3A_48, %add3A_847 : vector<16xi32>
        %select_n3A_849 = arith.select %lt3A_845, %add3A_848, %and3A_48 : vector<16xi1>, vector<16xi32>
        %reshape3A_850 = vector.shape_cast %select_n3A_849 : vector<16xi32> to vector<16x1xi32>
        %gather3A_851 = vector.shape_cast %reshape3A_850 : vector<16x1xi32> to vector<16xi32>
        %gather3A_852 = tpu.dynamic_gather %gather3A_812[%gather3A_851] in [0] : vector<16xf32>, vector<16xi32> -> vector<16xf32>
        %lt3A_853 = arith.constant 0 : i32
        %lt3A_854 = vector.broadcast %lt3A_853 : i32 to vector<16xi32>
        %lt3A_855 = arith.cmpi slt, %and3A_48, %lt3A_854 : vector<16xi32>
        %add3A_856 = arith.constant 16 : i32
        %add3A_857 = vector.broadcast %add3A_856 : i32 to vector<16xi32>
        %add3A_858 = arith.addi %and3A_48, %add3A_857 : vector<16xi32>
        %select_n3A_859 = arith.select %lt3A_855, %add3A_858, %and3A_48 : vector<16xi1>, vector<16xi32>
        %reshape3A_860 = vector.shape_cast %select_n3A_859 : vector<16xi32> to vector<16x1xi32>
        %gather3A_861 = vector.shape_cast %reshape3A_860 : vector<16x1xi32> to vector<16xi32>
        %gather3A_862 = tpu.dynamic_gather %gather3A_822[%gather3A_861] in [0] : vector<16xf32>, vector<16xi32> -> vector<16xf32>
        %sub3A_863 = arith.subf %gather3A_842, %get3A_403 : vector<16xf32>
        %sub3A_864 = arith.subf %gather3A_852, %get3A_410 : vector<16xf32>
        %sub3A_865 = arith.subf %gather3A_862, %get3A_417 : vector<16xf32>
        %mul3A_866 = arith.mulf %sub3A_863, %sub3A_863 : vector<16xf32>
        %mul3A_867 = arith.mulf %sub3A_864, %sub3A_864 : vector<16xf32>
        %add3A_868 = arith.addf %mul3A_866, %mul3A_867 : vector<16xf32>
        %mul3A_869 = arith.mulf %sub3A_865, %sub3A_865 : vector<16xf32>
        %add3A_870 = arith.addf %add3A_868, %mul3A_869 : vector<16xf32>
        %min3A_871 = arith.minimumf %scan3A_392, %add3A_870 : vector<16xf32>
        %min3A_872 = arith.minimumf %min3A_832, %add3A_870 : vector<16xf32>
        %lt3A_873 = arith.constant 0 : i32
        %lt3A_874 = vector.broadcast %lt3A_873 : i32 to vector<16xi32>
        %lt3A_875 = arith.cmpi slt, %and3A_48, %lt3A_874 : vector<16xi32>
        %add3A_876 = arith.constant 16 : i32
        %add3A_877 = vector.broadcast %add3A_876 : i32 to vector<16xi32>
        %add3A_878 = arith.addi %and3A_48, %add3A_877 : vector<16xi32>
        %select_n3A_879 = arith.select %lt3A_875, %add3A_878, %and3A_48 : vector<16xi1>, vector<16xi32>
        %reshape3A_880 = vector.shape_cast %select_n3A_879 : vector<16xi32> to vector<16x1xi32>
        %gather3A_881 = vector.shape_cast %reshape3A_880 : vector<16x1xi32> to vector<16xi32>
        %gather3A_882 = tpu.dynamic_gather %gather3A_842[%gather3A_881] in [0] : vector<16xf32>, vector<16xi32> -> vector<16xf32>
        %lt3A_883 = arith.constant 0 : i32
        %lt3A_884 = vector.broadcast %lt3A_883 : i32 to vector<16xi32>
        %lt3A_885 = arith.cmpi slt, %and3A_48, %lt3A_884 : vector<16xi32>
        %add3A_886 = arith.constant 16 : i32
        %add3A_887 = vector.broadcast %add3A_886 : i32 to vector<16xi32>
        %add3A_888 = arith.addi %and3A_48, %add3A_887 : vector<16xi32>
        %select_n3A_889 = arith.select %lt3A_885, %add3A_888, %and3A_48 : vector<16xi1>, vector<16xi32>
        %reshape3A_890 = vector.shape_cast %select_n3A_889 : vector<16xi32> to vector<16x1xi32>
        %gather3A_891 = vector.shape_cast %reshape3A_890 : vector<16x1xi32> to vector<16xi32>
        %gather3A_892 = tpu.dynamic_gather %gather3A_852[%gather3A_891] in [0] : vector<16xf32>, vector<16xi32> -> vector<16xf32>
        %lt3A_893 = arith.constant 0 : i32
        %lt3A_894 = vector.broadcast %lt3A_893 : i32 to vector<16xi32>
        %lt3A_895 = arith.cmpi slt, %and3A_48, %lt3A_894 : vector<16xi32>
        %add3A_896 = arith.constant 16 : i32
        %add3A_897 = vector.broadcast %add3A_896 : i32 to vector<16xi32>
        %add3A_898 = arith.addi %and3A_48, %add3A_897 : vector<16xi32>
        %select_n3A_899 = arith.select %lt3A_895, %add3A_898, %and3A_48 : vector<16xi1>, vector<16xi32>
        %reshape3A_900 = vector.shape_cast %select_n3A_899 : vector<16xi32> to vector<16x1xi32>
        %gather3A_901 = vector.shape_cast %reshape3A_900 : vector<16x1xi32> to vector<16xi32>
        %gather3A_902 = tpu.dynamic_gather %gather3A_862[%gather3A_901] in [0] : vector<16xf32>, vector<16xi32> -> vector<16xf32>
        %sub3A_903 = arith.subf %gather3A_882, %get3A_403 : vector<16xf32>
        %sub3A_904 = arith.subf %gather3A_892, %get3A_410 : vector<16xf32>
        %sub3A_905 = arith.subf %gather3A_902, %get3A_417 : vector<16xf32>
        %mul3A_906 = arith.mulf %sub3A_903, %sub3A_903 : vector<16xf32>
        %mul3A_907 = arith.mulf %sub3A_904, %sub3A_904 : vector<16xf32>
        %add3A_908 = arith.addf %mul3A_906, %mul3A_907 : vector<16xf32>
        %mul3A_909 = arith.mulf %sub3A_905, %sub3A_905 : vector<16xf32>
        %add3A_910 = arith.addf %add3A_908, %mul3A_909 : vector<16xf32>
        %min3A_911 = arith.minimumf %scan3A_393, %add3A_910 : vector<16xf32>
        %min3A_912 = arith.minimumf %min3A_872, %add3A_910 : vector<16xf32>
        %lt3A_913 = arith.constant 0 : i32
        %lt3A_914 = vector.broadcast %lt3A_913 : i32 to vector<16xi32>
        %lt3A_915 = arith.cmpi slt, %and3A_48, %lt3A_914 : vector<16xi32>
        %add3A_916 = arith.constant 16 : i32
        %add3A_917 = vector.broadcast %add3A_916 : i32 to vector<16xi32>
        %add3A_918 = arith.addi %and3A_48, %add3A_917 : vector<16xi32>
        %select_n3A_919 = arith.select %lt3A_915, %add3A_918, %and3A_48 : vector<16xi1>, vector<16xi32>
        %reshape3A_920 = vector.shape_cast %select_n3A_919 : vector<16xi32> to vector<16x1xi32>
        %gather3A_921 = vector.shape_cast %reshape3A_920 : vector<16x1xi32> to vector<16xi32>
        %gather3A_922 = tpu.dynamic_gather %gather3A_882[%gather3A_921] in [0] : vector<16xf32>, vector<16xi32> -> vector<16xf32>
        %lt3A_923 = arith.constant 0 : i32
        %lt3A_924 = vector.broadcast %lt3A_923 : i32 to vector<16xi32>
        %lt3A_925 = arith.cmpi slt, %and3A_48, %lt3A_924 : vector<16xi32>
        %add3A_926 = arith.constant 16 : i32
        %add3A_927 = vector.broadcast %add3A_926 : i32 to vector<16xi32>
        %add3A_928 = arith.addi %and3A_48, %add3A_927 : vector<16xi32>
        %select_n3A_929 = arith.select %lt3A_925, %add3A_928, %and3A_48 : vector<16xi1>, vector<16xi32>
        %reshape3A_930 = vector.shape_cast %select_n3A_929 : vector<16xi32> to vector<16x1xi32>
        %gather3A_931 = vector.shape_cast %reshape3A_930 : vector<16x1xi32> to vector<16xi32>
        %gather3A_932 = tpu.dynamic_gather %gather3A_892[%gather3A_931] in [0] : vector<16xf32>, vector<16xi32> -> vector<16xf32>
        %lt3A_933 = arith.constant 0 : i32
        %lt3A_934 = vector.broadcast %lt3A_933 : i32 to vector<16xi32>
        %lt3A_935 = arith.cmpi slt, %and3A_48, %lt3A_934 : vector<16xi32>
        %add3A_936 = arith.constant 16 : i32
        %add3A_937 = vector.broadcast %add3A_936 : i32 to vector<16xi32>
        %add3A_938 = arith.addi %and3A_48, %add3A_937 : vector<16xi32>
        %select_n3A_939 = arith.select %lt3A_935, %add3A_938, %and3A_48 : vector<16xi1>, vector<16xi32>
        %reshape3A_940 = vector.shape_cast %select_n3A_939 : vector<16xi32> to vector<16x1xi32>
        %gather3A_941 = vector.shape_cast %reshape3A_940 : vector<16x1xi32> to vector<16xi32>
        %gather3A_942 = tpu.dynamic_gather %gather3A_902[%gather3A_941] in [0] : vector<16xf32>, vector<16xi32> -> vector<16xf32>
        %sub3A_943 = arith.subf %gather3A_922, %get3A_403 : vector<16xf32>
        %sub3A_944 = arith.subf %gather3A_932, %get3A_410 : vector<16xf32>
        %sub3A_945 = arith.subf %gather3A_942, %get3A_417 : vector<16xf32>
        %mul3A_946 = arith.mulf %sub3A_943, %sub3A_943 : vector<16xf32>
        %mul3A_947 = arith.mulf %sub3A_944, %sub3A_944 : vector<16xf32>
        %add3A_948 = arith.addf %mul3A_946, %mul3A_947 : vector<16xf32>
        %mul3A_949 = arith.mulf %sub3A_945, %sub3A_945 : vector<16xf32>
        %add3A_950 = arith.addf %add3A_948, %mul3A_949 : vector<16xf32>
        %min3A_951 = arith.minimumf %scan3A_394, %add3A_950 : vector<16xf32>
        %min3A_952 = arith.minimumf %min3A_912, %add3A_950 : vector<16xf32>
        %lt3A_953 = arith.constant 0 : i32
        %lt3A_954 = vector.broadcast %lt3A_953 : i32 to vector<16xi32>
        %lt3A_955 = arith.cmpi slt, %and3A_48, %lt3A_954 : vector<16xi32>
        %add3A_956 = arith.constant 16 : i32
        %add3A_957 = vector.broadcast %add3A_956 : i32 to vector<16xi32>
        %add3A_958 = arith.addi %and3A_48, %add3A_957 : vector<16xi32>
        %select_n3A_959 = arith.select %lt3A_955, %add3A_958, %and3A_48 : vector<16xi1>, vector<16xi32>
        %reshape3A_960 = vector.shape_cast %select_n3A_959 : vector<16xi32> to vector<16x1xi32>
        %gather3A_961 = vector.shape_cast %reshape3A_960 : vector<16x1xi32> to vector<16xi32>
        %gather3A_962 = tpu.dynamic_gather %gather3A_922[%gather3A_961] in [0] : vector<16xf32>, vector<16xi32> -> vector<16xf32>
        %lt3A_963 = arith.constant 0 : i32
        %lt3A_964 = vector.broadcast %lt3A_963 : i32 to vector<16xi32>
        %lt3A_965 = arith.cmpi slt, %and3A_48, %lt3A_964 : vector<16xi32>
        %add3A_966 = arith.constant 16 : i32
        %add3A_967 = vector.broadcast %add3A_966 : i32 to vector<16xi32>
        %add3A_968 = arith.addi %and3A_48, %add3A_967 : vector<16xi32>
        %select_n3A_969 = arith.select %lt3A_965, %add3A_968, %and3A_48 : vector<16xi1>, vector<16xi32>
        %reshape3A_970 = vector.shape_cast %select_n3A_969 : vector<16xi32> to vector<16x1xi32>
        %gather3A_971 = vector.shape_cast %reshape3A_970 : vector<16x1xi32> to vector<16xi32>
        %gather3A_972 = tpu.dynamic_gather %gather3A_932[%gather3A_971] in [0] : vector<16xf32>, vector<16xi32> -> vector<16xf32>
        %lt3A_973 = arith.constant 0 : i32
        %lt3A_974 = vector.broadcast %lt3A_973 : i32 to vector<16xi32>
        %lt3A_975 = arith.cmpi slt, %and3A_48, %lt3A_974 : vector<16xi32>
        %add3A_976 = arith.constant 16 : i32
        %add3A_977 = vector.broadcast %add3A_976 : i32 to vector<16xi32>
        %add3A_978 = arith.addi %and3A_48, %add3A_977 : vector<16xi32>
        %select_n3A_979 = arith.select %lt3A_975, %add3A_978, %and3A_48 : vector<16xi1>, vector<16xi32>
        %reshape3A_980 = vector.shape_cast %select_n3A_979 : vector<16xi32> to vector<16x1xi32>
        %gather3A_981 = vector.shape_cast %reshape3A_980 : vector<16x1xi32> to vector<16xi32>
        %gather3A_982 = tpu.dynamic_gather %gather3A_942[%gather3A_981] in [0] : vector<16xf32>, vector<16xi32> -> vector<16xf32>
        %sub3A_983 = arith.subf %gather3A_962, %get3A_403 : vector<16xf32>
        %sub3A_984 = arith.subf %gather3A_972, %get3A_410 : vector<16xf32>
        %sub3A_985 = arith.subf %gather3A_982, %get3A_417 : vector<16xf32>
        %mul3A_986 = arith.mulf %sub3A_983, %sub3A_983 : vector<16xf32>
        %mul3A_987 = arith.mulf %sub3A_984, %sub3A_984 : vector<16xf32>
        %add3A_988 = arith.addf %mul3A_986, %mul3A_987 : vector<16xf32>
        %mul3A_989 = arith.mulf %sub3A_985, %sub3A_985 : vector<16xf32>
        %add3A_990 = arith.addf %add3A_988, %mul3A_989 : vector<16xf32>
        %min3A_991 = arith.minimumf %scan3A_395, %add3A_990 : vector<16xf32>
        %min3A_992 = arith.minimumf %min3A_952, %add3A_990 : vector<16xf32>
        %lt3A_993 = arith.constant 0 : i32
        %lt3A_994 = vector.broadcast %lt3A_993 : i32 to vector<16xi32>
        %lt3A_995 = arith.cmpi slt, %and3A_48, %lt3A_994 : vector<16xi32>
        %add3A_996 = arith.constant 16 : i32
        %add3A_997 = vector.broadcast %add3A_996 : i32 to vector<16xi32>
        %add3A_998 = arith.addi %and3A_48, %add3A_997 : vector<16xi32>
        %select_n3A_999 = arith.select %lt3A_995, %add3A_998, %and3A_48 : vector<16xi1>, vector<16xi32>
        %reshape3A_1000 = vector.shape_cast %select_n3A_999 : vector<16xi32> to vector<16x1xi32>
        %gather3A_1001 = vector.shape_cast %reshape3A_1000 : vector<16x1xi32> to vector<16xi32>
        %gather3A_1002 = tpu.dynamic_gather %gather3A_962[%gather3A_1001] in [0] : vector<16xf32>, vector<16xi32> -> vector<16xf32>
        %lt3A_1003 = arith.constant 0 : i32
        %lt3A_1004 = vector.broadcast %lt3A_1003 : i32 to vector<16xi32>
        %lt3A_1005 = arith.cmpi slt, %and3A_48, %lt3A_1004 : vector<16xi32>
        %add3A_1006 = arith.constant 16 : i32
        %add3A_1007 = vector.broadcast %add3A_1006 : i32 to vector<16xi32>
        %add3A_1008 = arith.addi %and3A_48, %add3A_1007 : vector<16xi32>
        %select_n3A_1009 = arith.select %lt3A_1005, %add3A_1008, %and3A_48 : vector<16xi1>, vector<16xi32>
        %reshape3A_1010 = vector.shape_cast %select_n3A_1009 : vector<16xi32> to vector<16x1xi32>
        %gather3A_1011 = vector.shape_cast %reshape3A_1010 : vector<16x1xi32> to vector<16xi32>
        %gather3A_1012 = tpu.dynamic_gather %gather3A_972[%gather3A_1011] in [0] : vector<16xf32>, vector<16xi32> -> vector<16xf32>
        %lt3A_1013 = arith.constant 0 : i32
        %lt3A_1014 = vector.broadcast %lt3A_1013 : i32 to vector<16xi32>
        %lt3A_1015 = arith.cmpi slt, %and3A_48, %lt3A_1014 : vector<16xi32>
        %add3A_1016 = arith.constant 16 : i32
        %add3A_1017 = vector.broadcast %add3A_1016 : i32 to vector<16xi32>
        %add3A_1018 = arith.addi %and3A_48, %add3A_1017 : vector<16xi32>
        %select_n3A_1019 = arith.select %lt3A_1015, %add3A_1018, %and3A_48 : vector<16xi1>, vector<16xi32>
        %reshape3A_1020 = vector.shape_cast %select_n3A_1019 : vector<16xi32> to vector<16x1xi32>
        %gather3A_1021 = vector.shape_cast %reshape3A_1020 : vector<16x1xi32> to vector<16xi32>
        %gather3A_1022 = tpu.dynamic_gather %gather3A_982[%gather3A_1021] in [0] : vector<16xf32>, vector<16xi32> -> vector<16xf32>
        %sub3A_1023 = arith.subf %gather3A_1002, %get3A_403 : vector<16xf32>
        %sub3A_1024 = arith.subf %gather3A_1012, %get3A_410 : vector<16xf32>
        %sub3A_1025 = arith.subf %gather3A_1022, %get3A_417 : vector<16xf32>
        %mul3A_1026 = arith.mulf %sub3A_1023, %sub3A_1023 : vector<16xf32>
        %mul3A_1027 = arith.mulf %sub3A_1024, %sub3A_1024 : vector<16xf32>
        %add3A_1028 = arith.addf %mul3A_1026, %mul3A_1027 : vector<16xf32>
        %mul3A_1029 = arith.mulf %sub3A_1025, %sub3A_1025 : vector<16xf32>
        %add3A_1030 = arith.addf %add3A_1028, %mul3A_1029 : vector<16xf32>
        %min3A_1031 = arith.minimumf %scan3A_396, %add3A_1030 : vector<16xf32>
        %min3A_1032 = arith.minimumf %min3A_992, %add3A_1030 : vector<16xf32>
        %mul3A_1033 = arith.constant 16 : i32
        %mul3A_1034 = arith.muli %scan3A_380, %mul3A_1033 : i32
        %swap3A_1035 = arith.index_cast %mul3A_1034 : i32 to index
        %swap3A_1036 = tpu.vector_load %arg8[%swap3A_1035] {strides = array<i32>} : memref<2048xf32, #tpu.memory_space<vmem>>, vector<16xf32>,
        %swap3A_1037 = vector.shape_cast %swap3A_1036 : vector<16xf32> to vector<16xf32>
        %swap3A_1038 = vector.shape_cast %min3A_1032 : vector<16xf32> to vector<16xf32>
        tpu.vector_store %arg8[%swap3A_1035], %swap3A_1038 {strides = array<i32>} : memref<2048xf32, #tpu.memory_space<vmem>>, vector<16xf32>,
        scf.yield %min3A_431, %min3A_471, %min3A_511, %min3A_551, %min3A_591, %min3A_631, %min3A_671, %min3A_711, %min3A_751, %min3A_791, %min3A_831, %min3A_871, %min3A_911, %min3A_951, %min3A_991, %min3A_1031 : vector<16xf32>, vector<16xf32>, vector<16xf32>, vector<16xf32>, vector<16xf32>, vector<16xf32>, vector<16xf32>, vector<16xf32>, vector<16xf32>, vector<16xf32>, vector<16xf32>, vector<16xf32>, vector<16xf32>, vector<16xf32>, vector<16xf32>, vector<16xf32>
      }
      %scan3A_214 = arith.constant 128 : i32
      %lt3A_215 = arith.constant 0 : i32
      %lt3A_216 = vector.broadcast %lt3A_215 : i32 to vector<16xi32>
      %lt3A_217 = arith.cmpi slt, %and3A_60, %lt3A_216 : vector<16xi32>
      %add3A_218 = arith.constant 16 : i32
      %add3A_219 = vector.broadcast %add3A_218 : i32 to vector<16xi32>
      %add3A_220 = arith.addi %and3A_60, %add3A_219 : vector<16xi32>
      %select_n3A_221 = arith.select %lt3A_217, %add3A_220, %and3A_60 : vector<16xi1>, vector<16xi32>
      %reshape3A = vector.shape_cast %select_n3A_221 : vector<16xi32> to vector<16x1xi32>
      %gather3A = vector.shape_cast %reshape3A : vector<16x1xi32> to vector<16xi32>
      %gather3A_222 = tpu.dynamic_gather %scan3A_213#1[%gather3A] in [0] : vector<16xf32>, vector<16xi32> -> vector<16xf32>
      %min3A = arith.minimumf %scan3A_213#0, %gather3A_222 : vector<16xf32>
      %lt3A_223 = arith.constant 0 : i32
      %lt3A_224 = vector.broadcast %lt3A_223 : i32 to vector<16xi32>
      %lt3A_225 = arith.cmpi slt, %and3A_66, %lt3A_224 : vector<16xi32>
      %add3A_226 = arith.constant 16 : i32
      %add3A_227 = vector.broadcast %add3A_226 : i32 to vector<16xi32>
      %add3A_228 = arith.addi %and3A_66, %add3A_227 : vector<16xi32>
      %select_n3A_229 = arith.select %lt3A_225, %add3A_228, %and3A_66 : vector<16xi1>, vector<16xi32>
      %reshape3A_230 = vector.shape_cast %select_n3A_229 : vector<16xi32> to vector<16x1xi32>
      %gather3A_231 = vector.shape_cast %reshape3A_230 : vector<16x1xi32> to vector<16xi32>
      %gather3A_232 = tpu.dynamic_gather %scan3A_213#2[%gather3A_231] in [0] : vector<16xf32>, vector<16xi32> -> vector<16xf32>
      %min3A_233 = arith.minimumf %min3A, %gather3A_232 : vector<16xf32>
      %lt3A_234 = arith.constant 0 : i32
      %lt3A_235 = vector.broadcast %lt3A_234 : i32 to vector<16xi32>
      %lt3A_236 = arith.cmpi slt, %and3A_72, %lt3A_235 : vector<16xi32>
      %add3A_237 = arith.constant 16 : i32
      %add3A_238 = vector.broadcast %add3A_237 : i32 to vector<16xi32>
      %add3A_239 = arith.addi %and3A_72, %add3A_238 : vector<16xi32>
      %select_n3A_240 = arith.select %lt3A_236, %add3A_239, %and3A_72 : vector<16xi1>, vector<16xi32>
      %reshape3A_241 = vector.shape_cast %select_n3A_240 : vector<16xi32> to vector<16x1xi32>
      %gather3A_242 = vector.shape_cast %reshape3A_241 : vector<16x1xi32> to vector<16xi32>
      %gather3A_243 = tpu.dynamic_gather %scan3A_213#3[%gather3A_242] in [0] : vector<16xf32>, vector<16xi32> -> vector<16xf32>
      %min3A_244 = arith.minimumf %min3A_233, %gather3A_243 : vector<16xf32>
      %lt3A_245 = arith.constant 0 : i32
      %lt3A_246 = vector.broadcast %lt3A_245 : i32 to vector<16xi32>
      %lt3A_247 = arith.cmpi slt, %and3A_78, %lt3A_246 : vector<16xi32>
      %add3A_248 = arith.constant 16 : i32
      %add3A_249 = vector.broadcast %add3A_248 : i32 to vector<16xi32>
      %add3A_250 = arith.addi %and3A_78, %add3A_249 : vector<16xi32>
      %select_n3A_251 = arith.select %lt3A_247, %add3A_250, %and3A_78 : vector<16xi1>, vector<16xi32>
      %reshape3A_252 = vector.shape_cast %select_n3A_251 : vector<16xi32> to vector<16x1xi32>
      %gather3A_253 = vector.shape_cast %reshape3A_252 : vector<16x1xi32> to vector<16xi32>
      %gather3A_254 = tpu.dynamic_gather %scan3A_213#4[%gather3A_253] in [0] : vector<16xf32>, vector<16xi32> -> vector<16xf32>
      %min3A_255 = arith.minimumf %min3A_244, %gather3A_254 : vector<16xf32>
      %lt3A_256 = arith.constant 0 : i32
      %lt3A_257 = vector.broadcast %lt3A_256 : i32 to vector<16xi32>
      %lt3A_258 = arith.cmpi slt, %and3A_84, %lt3A_257 : vector<16xi32>
      %add3A_259 = arith.constant 16 : i32
      %add3A_260 = vector.broadcast %add3A_259 : i32 to vector<16xi32>
      %add3A_261 = arith.addi %and3A_84, %add3A_260 : vector<16xi32>
      %select_n3A_262 = arith.select %lt3A_258, %add3A_261, %and3A_84 : vector<16xi1>, vector<16xi32>
      %reshape3A_263 = vector.shape_cast %select_n3A_262 : vector<16xi32> to vector<16x1xi32>
      %gather3A_264 = vector.shape_cast %reshape3A_263 : vector<16x1xi32> to vector<16xi32>
      %gather3A_265 = tpu.dynamic_gather %scan3A_213#5[%gather3A_264] in [0] : vector<16xf32>, vector<16xi32> -> vector<16xf32>
      %min3A_266 = arith.minimumf %min3A_255, %gather3A_265 : vector<16xf32>
      %lt3A_267 = arith.constant 0 : i32
      %lt3A_268 = vector.broadcast %lt3A_267 : i32 to vector<16xi32>
      %lt3A_269 = arith.cmpi slt, %and3A_90, %lt3A_268 : vector<16xi32>
      %add3A_270 = arith.constant 16 : i32
      %add3A_271 = vector.broadcast %add3A_270 : i32 to vector<16xi32>
      %add3A_272 = arith.addi %and3A_90, %add3A_271 : vector<16xi32>
      %select_n3A_273 = arith.select %lt3A_269, %add3A_272, %and3A_90 : vector<16xi1>, vector<16xi32>
      %reshape3A_274 = vector.shape_cast %select_n3A_273 : vector<16xi32> to vector<16x1xi32>
      %gather3A_275 = vector.shape_cast %reshape3A_274 : vector<16x1xi32> to vector<16xi32>
      %gather3A_276 = tpu.dynamic_gather %scan3A_213#6[%gather3A_275] in [0] : vector<16xf32>, vector<16xi32> -> vector<16xf32>
      %min3A_277 = arith.minimumf %min3A_266, %gather3A_276 : vector<16xf32>
      %lt3A_278 = arith.constant 0 : i32
      %lt3A_279 = vector.broadcast %lt3A_278 : i32 to vector<16xi32>
      %lt3A_280 = arith.cmpi slt, %and3A_96, %lt3A_279 : vector<16xi32>
      %add3A_281 = arith.constant 16 : i32
      %add3A_282 = vector.broadcast %add3A_281 : i32 to vector<16xi32>
      %add3A_283 = arith.addi %and3A_96, %add3A_282 : vector<16xi32>
      %select_n3A_284 = arith.select %lt3A_280, %add3A_283, %and3A_96 : vector<16xi1>, vector<16xi32>
      %reshape3A_285 = vector.shape_cast %select_n3A_284 : vector<16xi32> to vector<16x1xi32>
      %gather3A_286 = vector.shape_cast %reshape3A_285 : vector<16x1xi32> to vector<16xi32>
      %gather3A_287 = tpu.dynamic_gather %scan3A_213#7[%gather3A_286] in [0] : vector<16xf32>, vector<16xi32> -> vector<16xf32>
      %min3A_288 = arith.minimumf %min3A_277, %gather3A_287 : vector<16xf32>
      %lt3A_289 = arith.constant 0 : i32
      %lt3A_290 = vector.broadcast %lt3A_289 : i32 to vector<16xi32>
      %lt3A_291 = arith.cmpi slt, %and3A_102, %lt3A_290 : vector<16xi32>
      %add3A_292 = arith.constant 16 : i32
      %add3A_293 = vector.broadcast %add3A_292 : i32 to vector<16xi32>
      %add3A_294 = arith.addi %and3A_102, %add3A_293 : vector<16xi32>
      %select_n3A_295 = arith.select %lt3A_291, %add3A_294, %and3A_102 : vector<16xi1>, vector<16xi32>
      %reshape3A_296 = vector.shape_cast %select_n3A_295 : vector<16xi32> to vector<16x1xi32>
      %gather3A_297 = vector.shape_cast %reshape3A_296 : vector<16x1xi32> to vector<16xi32>
      %gather3A_298 = tpu.dynamic_gather %scan3A_213#8[%gather3A_297] in [0] : vector<16xf32>, vector<16xi32> -> vector<16xf32>
      %min3A_299 = arith.minimumf %min3A_288, %gather3A_298 : vector<16xf32>
      %lt3A_300 = arith.constant 0 : i32
      %lt3A_301 = vector.broadcast %lt3A_300 : i32 to vector<16xi32>
      %lt3A_302 = arith.cmpi slt, %and3A_108, %lt3A_301 : vector<16xi32>
      %add3A_303 = arith.constant 16 : i32
      %add3A_304 = vector.broadcast %add3A_303 : i32 to vector<16xi32>
      %add3A_305 = arith.addi %and3A_108, %add3A_304 : vector<16xi32>
      %select_n3A_306 = arith.select %lt3A_302, %add3A_305, %and3A_108 : vector<16xi1>, vector<16xi32>
      %reshape3A_307 = vector.shape_cast %select_n3A_306 : vector<16xi32> to vector<16x1xi32>
      %gather3A_308 = vector.shape_cast %reshape3A_307 : vector<16x1xi32> to vector<16xi32>
      %gather3A_309 = tpu.dynamic_gather %scan3A_213#9[%gather3A_308] in [0] : vector<16xf32>, vector<16xi32> -> vector<16xf32>
      %min3A_310 = arith.minimumf %min3A_299, %gather3A_309 : vector<16xf32>
      %lt3A_311 = arith.constant 0 : i32
      %lt3A_312 = vector.broadcast %lt3A_311 : i32 to vector<16xi32>
      %lt3A_313 = arith.cmpi slt, %and3A_114, %lt3A_312 : vector<16xi32>
      %add3A_314 = arith.constant 16 : i32
      %add3A_315 = vector.broadcast %add3A_314 : i32 to vector<16xi32>
      %add3A_316 = arith.addi %and3A_114, %add3A_315 : vector<16xi32>
      %select_n3A_317 = arith.select %lt3A_313, %add3A_316, %and3A_114 : vector<16xi1>, vector<16xi32>
      %reshape3A_318 = vector.shape_cast %select_n3A_317 : vector<16xi32> to vector<16x1xi32>
      %gather3A_319 = vector.shape_cast %reshape3A_318 : vector<16x1xi32> to vector<16xi32>
      %gather3A_320 = tpu.dynamic_gather %scan3A_213#10[%gather3A_319] in [0] : vector<16xf32>, vector<16xi32> -> vector<16xf32>
      %min3A_321 = arith.minimumf %min3A_310, %gather3A_320 : vector<16xf32>
      %lt3A_322 = arith.constant 0 : i32
      %lt3A_323 = vector.broadcast %lt3A_322 : i32 to vector<16xi32>
      %lt3A_324 = arith.cmpi slt, %and3A_120, %lt3A_323 : vector<16xi32>
      %add3A_325 = arith.constant 16 : i32
      %add3A_326 = vector.broadcast %add3A_325 : i32 to vector<16xi32>
      %add3A_327 = arith.addi %and3A_120, %add3A_326 : vector<16xi32>
      %select_n3A_328 = arith.select %lt3A_324, %add3A_327, %and3A_120 : vector<16xi1>, vector<16xi32>
      %reshape3A_329 = vector.shape_cast %select_n3A_328 : vector<16xi32> to vector<16x1xi32>
      %gather3A_330 = vector.shape_cast %reshape3A_329 : vector<16x1xi32> to vector<16xi32>
      %gather3A_331 = tpu.dynamic_gather %scan3A_213#11[%gather3A_330] in [0] : vector<16xf32>, vector<16xi32> -> vector<16xf32>
      %min3A_332 = arith.minimumf %min3A_321, %gather3A_331 : vector<16xf32>
      %lt3A_333 = arith.constant 0 : i32
      %lt3A_334 = vector.broadcast %lt3A_333 : i32 to vector<16xi32>
      %lt3A_335 = arith.cmpi slt, %and3A_126, %lt3A_334 : vector<16xi32>
      %add3A_336 = arith.constant 16 : i32
      %add3A_337 = vector.broadcast %add3A_336 : i32 to vector<16xi32>
      %add3A_338 = arith.addi %and3A_126, %add3A_337 : vector<16xi32>
      %select_n3A_339 = arith.select %lt3A_335, %add3A_338, %and3A_126 : vector<16xi1>, vector<16xi32>
      %reshape3A_340 = vector.shape_cast %select_n3A_339 : vector<16xi32> to vector<16x1xi32>
      %gather3A_341 = vector.shape_cast %reshape3A_340 : vector<16x1xi32> to vector<16xi32>
      %gather3A_342 = tpu.dynamic_gather %scan3A_213#12[%gather3A_341] in [0] : vector<16xf32>, vector<16xi32> -> vector<16xf32>
      %min3A_343 = arith.minimumf %min3A_332, %gather3A_342 : vector<16xf32>
      %lt3A_344 = arith.constant 0 : i32
      %lt3A_345 = vector.broadcast %lt3A_344 : i32 to vector<16xi32>
      %lt3A_346 = arith.cmpi slt, %and3A_132, %lt3A_345 : vector<16xi32>
      %add3A_347 = arith.constant 16 : i32
      %add3A_348 = vector.broadcast %add3A_347 : i32 to vector<16xi32>
      %add3A_349 = arith.addi %and3A_132, %add3A_348 : vector<16xi32>
      %select_n3A_350 = arith.select %lt3A_346, %add3A_349, %and3A_132 : vector<16xi1>, vector<16xi32>
      %reshape3A_351 = vector.shape_cast %select_n3A_350 : vector<16xi32> to vector<16x1xi32>
      %gather3A_352 = vector.shape_cast %reshape3A_351 : vector<16x1xi32> to vector<16xi32>
      %gather3A_353 = tpu.dynamic_gather %scan3A_213#13[%gather3A_352] in [0] : vector<16xf32>, vector<16xi32> -> vector<16xf32>
      %min3A_354 = arith.minimumf %min3A_343, %gather3A_353 : vector<16xf32>
      %lt3A_355 = arith.constant 0 : i32
      %lt3A_356 = vector.broadcast %lt3A_355 : i32 to vector<16xi32>
      %lt3A_357 = arith.cmpi slt, %and3A_138, %lt3A_356 : vector<16xi32>
      %add3A_358 = arith.constant 16 : i32
      %add3A_359 = vector.broadcast %add3A_358 : i32 to vector<16xi32>
      %add3A_360 = arith.addi %and3A_138, %add3A_359 : vector<16xi32>
      %select_n3A_361 = arith.select %lt3A_357, %add3A_360, %and3A_138 : vector<16xi1>, vector<16xi32>
      %reshape3A_362 = vector.shape_cast %select_n3A_361 : vector<16xi32> to vector<16x1xi32>
      %gather3A_363 = vector.shape_cast %reshape3A_362 : vector<16x1xi32> to vector<16xi32>
      %gather3A_364 = tpu.dynamic_gather %scan3A_213#14[%gather3A_363] in [0] : vector<16xf32>, vector<16xi32> -> vector<16xf32>
      %min3A_365 = arith.minimumf %min3A_354, %gather3A_364 : vector<16xf32>
      %lt3A_366 = arith.constant 0 : i32
      %lt3A_367 = vector.broadcast %lt3A_366 : i32 to vector<16xi32>
      %lt3A_368 = arith.cmpi slt, %and3A_144, %lt3A_367 : vector<16xi32>
      %add3A_369 = arith.constant 16 : i32
      %add3A_370 = vector.broadcast %add3A_369 : i32 to vector<16xi32>
      %add3A_371 = arith.addi %and3A_144, %add3A_370 : vector<16xi32>
      %select_n3A_372 = arith.select %lt3A_368, %add3A_371, %and3A_144 : vector<16xi1>, vector<16xi32>
      %reshape3A_373 = vector.shape_cast %select_n3A_372 : vector<16xi32> to vector<16x1xi32>
      %gather3A_374 = vector.shape_cast %reshape3A_373 : vector<16x1xi32> to vector<16xi32>
      %gather3A_375 = tpu.dynamic_gather %scan3A_213#15[%gather3A_374] in [0] : vector<16xf32>, vector<16xi32> -> vector<16xf32>
      %min3A_376 = arith.minimumf %min3A_365, %gather3A_375 : vector<16xf32>
      %max3A = arith.constant 0.000000e+00 : f32
      %max3A_377 = vector.broadcast %max3A : f32 to vector<16xf32>
      %max3A_378 = arith.maximumf %min3A_376, %max3A_377 : vector<16xf32>
      %add3A_379 = arith.addf %scan3A_156, %max3A_378 : vector<16xf32>
      scf.yield %add3A_379 : vector<16xf32>
    }
    %scan3A_151 = arith.constant 4 : i32
    %swap3A = arith.constant 0 : index
    %swap3A_152 = tpu.vector_load %arg9[%swap3A] {strides = array<i32>} : memref<16xf32, #tpu.memory_space<vmem>>, vector<16xf32>,
    %swap3A_153 = vector.shape_cast %swap3A_152 : vector<16xf32> to vector<16xf32>
    %swap3A_154 = vector.shape_cast %scan3A_150 : vector<16xf32> to vector<16xf32>
    tpu.vector_store %arg9[%swap3A], %swap3A_154 {strides = array<i32>} : memref<16xf32, #tpu.memory_space<vmem>>, vector<16xf32>,
    "tpu.region"() ({
      %run_scoped3A_155 = tpu.sem_alloc : memref<!tpu.dma_semaphore, #tpu.memory_space<semaphore_mem>>
      %dma_start3A = arith.constant 0 : i32
      %dma_start3A_156 = tpu.memref_slice %arg4[%add3A, %dma_start3A] : memref<32x16xf32, #tpu.memory_space<hbm>> -> memref<1x16xf32, #tpu.memory_space<hbm>>
      %dma_start3A_157 = tpu.memref_squeeze %dma_start3A_156 : memref<1x16xf32, #tpu.memory_space<hbm>> -> memref<16xf32, #tpu.memory_space<hbm>>
      %dma_start3A_158 = arith.constant 0 : i32
      %dma_start3A_159 = tpu.memref_slice %arg4[%add3A, %dma_start3A_158] : memref<32x16xf32, #tpu.memory_space<hbm>> -> memref<1x16xf32, #tpu.memory_space<hbm>>
      %dma_start3A_160 = tpu.memref_squeeze %dma_start3A_159 : memref<1x16xf32, #tpu.memory_space<hbm>> -> memref<16xf32, #tpu.memory_space<hbm>>
      tpu.enqueue_dma source(%arg9 : memref<16xf32, #tpu.memory_space<vmem>>) target(%dma_start3A_160 : memref<16xf32, #tpu.memory_space<hbm>>) target_semaphore(%run_scoped3A_155 : memref<!tpu.dma_semaphore, #tpu.memory_space<semaphore_mem>>)
      %dma_wait3A = arith.constant 0 : i32
      %dma_wait3A_161 = tpu.memref_slice %arg4[%add3A, %dma_wait3A] : memref<32x16xf32, #tpu.memory_space<hbm>> -> memref<1x16xf32, #tpu.memory_space<hbm>>
      %dma_wait3A_162 = tpu.memref_squeeze %dma_wait3A_161 : memref<1x16xf32, #tpu.memory_space<hbm>> -> memref<16xf32, #tpu.memory_space<hbm>>
      %dma_wait3A_163 = arith.constant 0 : i32
      %dma_wait3A_164 = tpu.memref_slice %arg4[%add3A, %dma_wait3A_163] : memref<32x16xf32, #tpu.memory_space<hbm>> -> memref<1x16xf32, #tpu.memory_space<hbm>>
      %dma_wait3A_165 = tpu.memref_squeeze %dma_wait3A_164 : memref<1x16xf32, #tpu.memory_space<hbm>> -> memref<16xf32, #tpu.memory_space<hbm>>
      tpu.wait_dma2 semaphore(%run_scoped3A_155 : memref<!tpu.dma_semaphore, #tpu.memory_space<semaphore_mem>>) src(%arg9 : memref<16xf32, #tpu.memory_space<vmem>>) dst(%dma_wait3A_165 : memref<16xf32, #tpu.memory_space<hbm>>)
      tpu.yield
    }) : () -> ()
    "tpu.region"() ({
      %run_scoped3A_155 = tpu.sem_alloc : memref<!tpu.dma_semaphore, #tpu.memory_space<semaphore_mem>>
      %dma_start3A = arith.constant 0 : i32
      %dma_start3A_156 = tpu.memref_slice %arg5[%add3A, %dma_start3A] : memref<32x2048xf32, #tpu.memory_space<hbm>> -> memref<1x2048xf32, #tpu.memory_space<hbm>>
      %dma_start3A_157 = tpu.memref_squeeze %dma_start3A_156 : memref<1x2048xf32, #tpu.memory_space<hbm>> -> memref<2048xf32, #tpu.memory_space<hbm>>
      %dma_start3A_158 = arith.constant 0 : i32
      %dma_start3A_159 = tpu.memref_slice %arg5[%add3A, %dma_start3A_158] : memref<32x2048xf32, #tpu.memory_space<hbm>> -> memref<1x2048xf32, #tpu.memory_space<hbm>>
      %dma_start3A_160 = tpu.memref_squeeze %dma_start3A_159 : memref<1x2048xf32, #tpu.memory_space<hbm>> -> memref<2048xf32, #tpu.memory_space<hbm>>
      tpu.enqueue_dma source(%arg8 : memref<2048xf32, #tpu.memory_space<vmem>>) target(%dma_start3A_160 : memref<2048xf32, #tpu.memory_space<hbm>>) target_semaphore(%run_scoped3A_155 : memref<!tpu.dma_semaphore, #tpu.memory_space<semaphore_mem>>)
      %dma_wait3A = arith.constant 0 : i32
      %dma_wait3A_161 = tpu.memref_slice %arg5[%add3A, %dma_wait3A] : memref<32x2048xf32, #tpu.memory_space<hbm>> -> memref<1x2048xf32, #tpu.memory_space<hbm>>
      %dma_wait3A_162 = tpu.memref_squeeze %dma_wait3A_161 : memref<1x2048xf32, #tpu.memory_space<hbm>> -> memref<2048xf32, #tpu.memory_space<hbm>>
      %dma_wait3A_163 = arith.constant 0 : i32
      %dma_wait3A_164 = tpu.memref_slice %arg5[%add3A, %dma_wait3A_163] : memref<32x2048xf32, #tpu.memory_space<hbm>> -> memref<1x2048xf32, #tpu.memory_space<hbm>>
      %dma_wait3A_165 = tpu.memref_squeeze %dma_wait3A_164 : memref<1x2048xf32, #tpu.memory_space<hbm>> -> memref<2048xf32, #tpu.memory_space<hbm>>
      tpu.wait_dma2 semaphore(%run_scoped3A_155 : memref<!tpu.dma_semaphore, #tpu.memory_space<semaphore_mem>>) src(%arg8 : memref<2048xf32, #tpu.memory_space<vmem>>) dst(%dma_wait3A_165 : memref<2048xf32, #tpu.memory_space<hbm>>)
      tpu.yield
    }) : () -> ()
    return
  }
}

module attributes {stable_mosaic.version = 14 : i64} {
  func.func @_combine_body(%arg0: memref<1x1xf32, #tpu.memory_space<smem>>, %arg1: memref<32x16xf32, #tpu.memory_space<vmem>>, %arg2: memref<32x2048xf32, #tpu.memory_space<vmem>>, %arg3: memref<1x1xf32, #tpu.memory_space<smem>>) attributes {dimension_semantics = [], scalar_prefetch = 0 : i64, scratch_operands = 0 : i64, tpu.core_type = #tpu.core_type<tc>} {
    %get3A = arith.constant 0 : index
    %get3A_0 = arith.constant 0 : index
    %get3A_1 = vector.load %arg2[%get3A, %get3A_0] : memref<32x2048xf32, #tpu.memory_space<vmem>>, vector<32x2048xf32>
    %reduce_min3A = arith.constant dense<0x7F800000> : vector<2048xf32>
    %reduce_min3A_2 = vector.multi_reduction <minimumf>, %get3A_1, %reduce_min3A [0] : vector<32x2048xf32> to vector<2048xf32>
    %max3A = arith.constant 0.000000e+00 : f32
    %max3A_3 = vector.broadcast %max3A : f32 to vector<2048xf32>
    %max3A_4 = arith.maximumf %reduce_min3A_2, %max3A_3 : vector<2048xf32>
    %reduce_sum3A = vector.shape_cast %max3A_4 : vector<2048xf32> to vector<1x2048xf32>
    %reduce_sum3A_5 = arith.constant dense<0.000000e+00> : vector<1xf32>
    %reduce_sum3A_6 = vector.multi_reduction <add>, %reduce_sum3A, %reduce_sum3A_5 [1] : vector<1x2048xf32> to vector<1xf32>
    %reduce_sum3A_7 = vector.shape_cast %reduce_sum3A_6 : vector<1xf32> to vector<1x1xf32>
    %reduce_sum3A_8 = vector.extract %reduce_sum3A_7[0, 0] : f32 from vector<1x1xf32>
    %get3A_9 = arith.constant 0 : index
    %get3A_10 = arith.constant 0 : index
    %get3A_11 = vector.load %arg1[%get3A_9, %get3A_10] : memref<32x16xf32, #tpu.memory_space<vmem>>, vector<32x16xf32>
    %reduce_sum3A_12 = vector.shape_cast %get3A_11 : vector<32x16xf32> to vector<1x32x16xf32>
    %reduce_sum3A_13 = arith.constant dense<0.000000e+00> : vector<1xf32>
    %reduce_sum3A_14 = vector.multi_reduction <add>, %reduce_sum3A_12, %reduce_sum3A_13 [1, 2] : vector<1x32x16xf32> to vector<1xf32>
    %reduce_sum3A_15 = vector.shape_cast %reduce_sum3A_14 : vector<1xf32> to vector<1x1x1xf32>
    %reduce_sum3A_16 = vector.extract %reduce_sum3A_15[0, 0, 0] : f32 from vector<1x1x1xf32>
    %add3A = arith.addf %reduce_sum3A_8, %reduce_sum3A_16 : f32
    %get3A_17 = arith.constant 0 : index
    %get3A_18 = arith.constant 0 : index
    %get3A_19 = memref.load %arg0[%get3A_17, %get3A_18] : memref<1x1xf32, #tpu.memory_space<smem>>
    %add3A_20 = arith.addf %add3A, %get3A_19 : f32
    %div3A = arith.constant 1.638400e+04 : f32
    %div3A_21 = arith.divf %add3A_20, %div3A : f32
    %swap3A = arith.constant 0 : index
    %swap3A_22 = arith.constant 0 : index
    %swap3A_23 = memref.load %arg3[%swap3A, %swap3A_22] : memref<1x1xf32, #tpu.memory_space<smem>>
    memref.store %div3A_21, %arg3[%swap3A, %swap3A_22] : memref<1x1xf32, #tpu.memory_space<smem>>
    return
  }
}

module attributes {stable_mosaic.version = 14 : i64} {
  func.func @_tc_body(%arg0: i32, %arg1: memref<1x2048x3xf32, #tpu.memory_space<vmem>>, %arg2: memref<1x3x2048xf32, #tpu.memory_space<vmem>>, %arg3: memref<1x1xf32, #tpu.memory_space<smem>>, %arg4: memref<1x1xf32, #tpu.memory_space<smem>>) attributes {dimension_semantics = [#tpu.dimension_semantics<arbitrary>], iteration_bounds = array<i64: 7>, scalar_prefetch = 0 : i64, scratch_operands = 1 : i64, tpu.core_type = #tpu.core_type<tc>, window_params = [{transform_indices = @transform_0, window_bounds = array<i64: 1, 2048, 3>}, {transform_indices = @transform_1, window_bounds = array<i64: 1, 3, 2048>}, {transform_indices = @transform_2, window_bounds = array<i64: 1, 1>}]} {
    %get3A = arith.constant 0 : index
    %get3A_0 = arith.constant 0 : index
    %get3A_1 = arith.constant 0 : index
    %get3A_2 = vector.load %arg1[%get3A, %get3A_0, %get3A_1] : memref<1x2048x3xf32, #tpu.memory_space<vmem>>, vector<1x2048x3xf32>
    %get3A_3 = vector.shape_cast %get3A_2 : vector<1x2048x3xf32> to vector<2048x3xf32>
    %get3A_4 = arith.constant 0 : index
    %get3A_5 = arith.constant 0 : index
    %get3A_6 = arith.constant 0 : index
    %get3A_7 = vector.load %arg2[%get3A_4, %get3A_5, %get3A_6] : memref<1x3x2048xf32, #tpu.memory_space<vmem>>, vector<1x3x2048xf32>
    %get3A_8 = vector.shape_cast %get3A_7 : vector<1x3x2048xf32> to vector<3x2048xf32>
    %mul3A = arith.mulf %get3A_3, %get3A_3 : vector<2048x3xf32>
    %reduce_sum3A = arith.constant dense<0.000000e+00> : vector<2048xf32>
    %reduce_sum3A_9 = vector.multi_reduction <add>, %mul3A, %reduce_sum3A [1] : vector<2048x3xf32> to vector<2048xf32>
    %broadcast_in_dim3A = vector.shape_cast %reduce_sum3A_9 : vector<2048xf32> to vector<2048x1xf32>
    %broadcast_in_dim3A_10 = arith.constant 1.000000e+00 : f32
    %broadcast_in_dim3A_11 = vector.broadcast %broadcast_in_dim3A_10 : f32 to vector<2048x1xf32>
    %broadcast_in_dim3A_12 = arith.constant 0.000000e+00 : f32
    %broadcast_in_dim3A_13 = vector.broadcast %broadcast_in_dim3A_12 : f32 to vector<2048x3xf32>
    %concatenate3A = tpu.concatenate %get3A_3, %broadcast_in_dim3A, %broadcast_in_dim3A_11, %broadcast_in_dim3A_13 in 1 : vector<2048x3xf32>, vector<2048x1xf32>, vector<2048x1xf32>, vector<2048x3xf32> -> vector<2048x8xf32>
    %mul3A_14 = arith.mulf %get3A_8, %get3A_8 : vector<3x2048xf32>
    %reduce_sum3A_15 = arith.constant dense<0.000000e+00> : vector<2048xf32>
    %reduce_sum3A_16 = vector.multi_reduction <add>, %mul3A_14, %reduce_sum3A_15 [0] : vector<3x2048xf32> to vector<2048xf32>
    %broadcast_in_dim3A_17 = vector.shape_cast %reduce_sum3A_16 : vector<2048xf32> to vector<1x2048xf32>
    %mul3A_18 = arith.constant -2.000000e+00 : f32
    %mul3A_19 = vector.broadcast %mul3A_18 : f32 to vector<3x2048xf32>
    %mul3A_20 = arith.mulf %mul3A_19, %get3A_8 : vector<3x2048xf32>
    %broadcast_in_dim3A_21 = arith.constant 1.000000e+00 : f32
    %broadcast_in_dim3A_22 = vector.broadcast %broadcast_in_dim3A_21 : f32 to vector<1x2048xf32>
    %broadcast_in_dim3A_23 = arith.constant 0.000000e+00 : f32
    %broadcast_in_dim3A_24 = vector.broadcast %broadcast_in_dim3A_23 : f32 to vector<3x2048xf32>
    %concatenate3A_25 = tpu.concatenate %mul3A_20, %broadcast_in_dim3A_22, %broadcast_in_dim3A_17, %broadcast_in_dim3A_24 in 0 : vector<3x2048xf32>, vector<1x2048xf32>, vector<1x2048xf32>, vector<3x2048xf32> -> vector<8x2048xf32>
    %dot_general3A = arith.constant dense<0.000000e+00> : vector<2048x2048xf32>
    %dot_general3A_26 = tpu.matmul %concatenate3A, %concatenate3A_25, %dot_general3A {dimension_numbers = #tpu.dot_dimension_numbers<[1], [0], [0], [1], [0, 0, 1, 1], [], []>, transpose_lhs_hint = false} : vector<2048x8xf32>, vector<8x2048xf32>, vector<2048x2048xf32> -> vector<2048x2048xf32>
    %slice3A = vector.extract_strided_slice %dot_general3A_26 {offsets = [0, 0], sizes = [2048, 128], strides = [1, 1]} : vector<2048x2048xf32> to vector<2048x128xf32>
    %reduce_min3A = arith.constant dense<0x7F800000> : vector<128xf32>
    %reduce_min3A_27 = vector.multi_reduction <minimumf>, %slice3A, %reduce_min3A [0] : vector<2048x128xf32> to vector<128xf32>
    %max3A = arith.constant 0.000000e+00 : f32
    %max3A_28 = vector.broadcast %max3A : f32 to vector<128xf32>
    %max3A_29 = arith.maximumf %reduce_min3A_27, %max3A_28 : vector<128xf32>
    %reduce_sum3A_30 = vector.shape_cast %max3A_29 : vector<128xf32> to vector<1x128xf32>
    %reduce_sum3A_31 = arith.constant dense<0.000000e+00> : vector<1xf32>
    %reduce_sum3A_32 = vector.multi_reduction <add>, %reduce_sum3A_30, %reduce_sum3A_31 [1] : vector<1x128xf32> to vector<1xf32>
    %reduce_sum3A_33 = vector.shape_cast %reduce_sum3A_32 : vector<1xf32> to vector<1x1xf32>
    %reduce_sum3A_34 = vector.extract %reduce_sum3A_33[0, 0] : f32 from vector<1x1xf32>
    %add3A = arith.constant 0.000000e+00 : f32
    %add3A_35 = arith.addf %add3A, %reduce_sum3A_34 : f32
    %slice3A_36 = vector.extract_strided_slice %dot_general3A_26 {offsets = [0, 128], sizes = [2048, 128], strides = [1, 1]} : vector<2048x2048xf32> to vector<2048x128xf32>
    %min3A = arith.minimumf %slice3A, %slice3A_36 : vector<2048x128xf32>
    %reduce_min3A_37 = arith.constant dense<0x7F800000> : vector<128xf32>
    %reduce_min3A_38 = vector.multi_reduction <minimumf>, %slice3A_36, %reduce_min3A_37 [0] : vector<2048x128xf32> to vector<128xf32>
    %max3A_39 = arith.constant 0.000000e+00 : f32
    %max3A_40 = vector.broadcast %max3A_39 : f32 to vector<128xf32>
    %max3A_41 = arith.maximumf %reduce_min3A_38, %max3A_40 : vector<128xf32>
    %reduce_sum3A_42 = vector.shape_cast %max3A_41 : vector<128xf32> to vector<1x128xf32>
    %reduce_sum3A_43 = arith.constant dense<0.000000e+00> : vector<1xf32>
    %reduce_sum3A_44 = vector.multi_reduction <add>, %reduce_sum3A_42, %reduce_sum3A_43 [1] : vector<1x128xf32> to vector<1xf32>
    %reduce_sum3A_45 = vector.shape_cast %reduce_sum3A_44 : vector<1xf32> to vector<1x1xf32>
    %reduce_sum3A_46 = vector.extract %reduce_sum3A_45[0, 0] : f32 from vector<1x1xf32>
    %add3A_47 = arith.addf %add3A_35, %reduce_sum3A_46 : f32
    %slice3A_48 = vector.extract_strided_slice %dot_general3A_26 {offsets = [0, 256], sizes = [2048, 128], strides = [1, 1]} : vector<2048x2048xf32> to vector<2048x128xf32>
    %min3A_49 = arith.minimumf %min3A, %slice3A_48 : vector<2048x128xf32>
    %reduce_min3A_50 = arith.constant dense<0x7F800000> : vector<128xf32>
    %reduce_min3A_51 = vector.multi_reduction <minimumf>, %slice3A_48, %reduce_min3A_50 [0] : vector<2048x128xf32> to vector<128xf32>
    %max3A_52 = arith.constant 0.000000e+00 : f32
    %max3A_53 = vector.broadcast %max3A_52 : f32 to vector<128xf32>
    %max3A_54 = arith.maximumf %reduce_min3A_51, %max3A_53 : vector<128xf32>
    %reduce_sum3A_55 = vector.shape_cast %max3A_54 : vector<128xf32> to vector<1x128xf32>
    %reduce_sum3A_56 = arith.constant dense<0.000000e+00> : vector<1xf32>
    %reduce_sum3A_57 = vector.multi_reduction <add>, %reduce_sum3A_55, %reduce_sum3A_56 [1] : vector<1x128xf32> to vector<1xf32>
    %reduce_sum3A_58 = vector.shape_cast %reduce_sum3A_57 : vector<1xf32> to vector<1x1xf32>
    %reduce_sum3A_59 = vector.extract %reduce_sum3A_58[0, 0] : f32 from vector<1x1xf32>
    %add3A_60 = arith.addf %add3A_47, %reduce_sum3A_59 : f32
    %slice3A_61 = vector.extract_strided_slice %dot_general3A_26 {offsets = [0, 384], sizes = [2048, 128], strides = [1, 1]} : vector<2048x2048xf32> to vector<2048x128xf32>
    %min3A_62 = arith.minimumf %min3A_49, %slice3A_61 : vector<2048x128xf32>
    %reduce_min3A_63 = arith.constant dense<0x7F800000> : vector<128xf32>
    %reduce_min3A_64 = vector.multi_reduction <minimumf>, %slice3A_61, %reduce_min3A_63 [0] : vector<2048x128xf32> to vector<128xf32>
    %max3A_65 = arith.constant 0.000000e+00 : f32
    %max3A_66 = vector.broadcast %max3A_65 : f32 to vector<128xf32>
    %max3A_67 = arith.maximumf %reduce_min3A_64, %max3A_66 : vector<128xf32>
    %reduce_sum3A_68 = vector.shape_cast %max3A_67 : vector<128xf32> to vector<1x128xf32>
    %reduce_sum3A_69 = arith.constant dense<0.000000e+00> : vector<1xf32>
    %reduce_sum3A_70 = vector.multi_reduction <add>, %reduce_sum3A_68, %reduce_sum3A_69 [1] : vector<1x128xf32> to vector<1xf32>
    %reduce_sum3A_71 = vector.shape_cast %reduce_sum3A_70 : vector<1xf32> to vector<1x1xf32>
    %reduce_sum3A_72 = vector.extract %reduce_sum3A_71[0, 0] : f32 from vector<1x1xf32>
    %add3A_73 = arith.addf %add3A_60, %reduce_sum3A_72 : f32
    %slice3A_74 = vector.extract_strided_slice %dot_general3A_26 {offsets = [0, 512], sizes = [2048, 128], strides = [1, 1]} : vector<2048x2048xf32> to vector<2048x128xf32>
    %min3A_75 = arith.minimumf %min3A_62, %slice3A_74 : vector<2048x128xf32>
    %reduce_min3A_76 = arith.constant dense<0x7F800000> : vector<128xf32>
    %reduce_min3A_77 = vector.multi_reduction <minimumf>, %slice3A_74, %reduce_min3A_76 [0] : vector<2048x128xf32> to vector<128xf32>
    %max3A_78 = arith.constant 0.000000e+00 : f32
    %max3A_79 = vector.broadcast %max3A_78 : f32 to vector<128xf32>
    %max3A_80 = arith.maximumf %reduce_min3A_77, %max3A_79 : vector<128xf32>
    %reduce_sum3A_81 = vector.shape_cast %max3A_80 : vector<128xf32> to vector<1x128xf32>
    %reduce_sum3A_82 = arith.constant dense<0.000000e+00> : vector<1xf32>
    %reduce_sum3A_83 = vector.multi_reduction <add>, %reduce_sum3A_81, %reduce_sum3A_82 [1] : vector<1x128xf32> to vector<1xf32>
    %reduce_sum3A_84 = vector.shape_cast %reduce_sum3A_83 : vector<1xf32> to vector<1x1xf32>
    %reduce_sum3A_85 = vector.extract %reduce_sum3A_84[0, 0] : f32 from vector<1x1xf32>
    %add3A_86 = arith.addf %add3A_73, %reduce_sum3A_85 : f32
    %slice3A_87 = vector.extract_strided_slice %dot_general3A_26 {offsets = [0, 640], sizes = [2048, 128], strides = [1, 1]} : vector<2048x2048xf32> to vector<2048x128xf32>
    %min3A_88 = arith.minimumf %min3A_75, %slice3A_87 : vector<2048x128xf32>
    %reduce_min3A_89 = arith.constant dense<0x7F800000> : vector<128xf32>
    %reduce_min3A_90 = vector.multi_reduction <minimumf>, %slice3A_87, %reduce_min3A_89 [0] : vector<2048x128xf32> to vector<128xf32>
    %max3A_91 = arith.constant 0.000000e+00 : f32
    %max3A_92 = vector.broadcast %max3A_91 : f32 to vector<128xf32>
    %max3A_93 = arith.maximumf %reduce_min3A_90, %max3A_92 : vector<128xf32>
    %reduce_sum3A_94 = vector.shape_cast %max3A_93 : vector<128xf32> to vector<1x128xf32>
    %reduce_sum3A_95 = arith.constant dense<0.000000e+00> : vector<1xf32>
    %reduce_sum3A_96 = vector.multi_reduction <add>, %reduce_sum3A_94, %reduce_sum3A_95 [1] : vector<1x128xf32> to vector<1xf32>
    %reduce_sum3A_97 = vector.shape_cast %reduce_sum3A_96 : vector<1xf32> to vector<1x1xf32>
    %reduce_sum3A_98 = vector.extract %reduce_sum3A_97[0, 0] : f32 from vector<1x1xf32>
    %add3A_99 = arith.addf %add3A_86, %reduce_sum3A_98 : f32
    %slice3A_100 = vector.extract_strided_slice %dot_general3A_26 {offsets = [0, 768], sizes = [2048, 128], strides = [1, 1]} : vector<2048x2048xf32> to vector<2048x128xf32>
    %min3A_101 = arith.minimumf %min3A_88, %slice3A_100 : vector<2048x128xf32>
    %reduce_min3A_102 = arith.constant dense<0x7F800000> : vector<128xf32>
    %reduce_min3A_103 = vector.multi_reduction <minimumf>, %slice3A_100, %reduce_min3A_102 [0] : vector<2048x128xf32> to vector<128xf32>
    %max3A_104 = arith.constant 0.000000e+00 : f32
    %max3A_105 = vector.broadcast %max3A_104 : f32 to vector<128xf32>
    %max3A_106 = arith.maximumf %reduce_min3A_103, %max3A_105 : vector<128xf32>
    %reduce_sum3A_107 = vector.shape_cast %max3A_106 : vector<128xf32> to vector<1x128xf32>
    %reduce_sum3A_108 = arith.constant dense<0.000000e+00> : vector<1xf32>
    %reduce_sum3A_109 = vector.multi_reduction <add>, %reduce_sum3A_107, %reduce_sum3A_108 [1] : vector<1x128xf32> to vector<1xf32>
    %reduce_sum3A_110 = vector.shape_cast %reduce_sum3A_109 : vector<1xf32> to vector<1x1xf32>
    %reduce_sum3A_111 = vector.extract %reduce_sum3A_110[0, 0] : f32 from vector<1x1xf32>
    %add3A_112 = arith.addf %add3A_99, %reduce_sum3A_111 : f32
    %slice3A_113 = vector.extract_strided_slice %dot_general3A_26 {offsets = [0, 896], sizes = [2048, 128], strides = [1, 1]} : vector<2048x2048xf32> to vector<2048x128xf32>
    %min3A_114 = arith.minimumf %min3A_101, %slice3A_113 : vector<2048x128xf32>
    %reduce_min3A_115 = arith.constant dense<0x7F800000> : vector<128xf32>
    %reduce_min3A_116 = vector.multi_reduction <minimumf>, %slice3A_113, %reduce_min3A_115 [0] : vector<2048x128xf32> to vector<128xf32>
    %max3A_117 = arith.constant 0.000000e+00 : f32
    %max3A_118 = vector.broadcast %max3A_117 : f32 to vector<128xf32>
    %max3A_119 = arith.maximumf %reduce_min3A_116, %max3A_118 : vector<128xf32>
    %reduce_sum3A_120 = vector.shape_cast %max3A_119 : vector<128xf32> to vector<1x128xf32>
    %reduce_sum3A_121 = arith.constant dense<0.000000e+00> : vector<1xf32>
    %reduce_sum3A_122 = vector.multi_reduction <add>, %reduce_sum3A_120, %reduce_sum3A_121 [1] : vector<1x128xf32> to vector<1xf32>
    %reduce_sum3A_123 = vector.shape_cast %reduce_sum3A_122 : vector<1xf32> to vector<1x1xf32>
    %reduce_sum3A_124 = vector.extract %reduce_sum3A_123[0, 0] : f32 from vector<1x1xf32>
    %add3A_125 = arith.addf %add3A_112, %reduce_sum3A_124 : f32
    %slice3A_126 = vector.extract_strided_slice %dot_general3A_26 {offsets = [0, 1024], sizes = [2048, 128], strides = [1, 1]} : vector<2048x2048xf32> to vector<2048x128xf32>
    %min3A_127 = arith.minimumf %min3A_114, %slice3A_126 : vector<2048x128xf32>
    %reduce_min3A_128 = arith.constant dense<0x7F800000> : vector<128xf32>
    %reduce_min3A_129 = vector.multi_reduction <minimumf>, %slice3A_126, %reduce_min3A_128 [0] : vector<2048x128xf32> to vector<128xf32>
    %max3A_130 = arith.constant 0.000000e+00 : f32
    %max3A_131 = vector.broadcast %max3A_130 : f32 to vector<128xf32>
    %max3A_132 = arith.maximumf %reduce_min3A_129, %max3A_131 : vector<128xf32>
    %reduce_sum3A_133 = vector.shape_cast %max3A_132 : vector<128xf32> to vector<1x128xf32>
    %reduce_sum3A_134 = arith.constant dense<0.000000e+00> : vector<1xf32>
    %reduce_sum3A_135 = vector.multi_reduction <add>, %reduce_sum3A_133, %reduce_sum3A_134 [1] : vector<1x128xf32> to vector<1xf32>
    %reduce_sum3A_136 = vector.shape_cast %reduce_sum3A_135 : vector<1xf32> to vector<1x1xf32>
    %reduce_sum3A_137 = vector.extract %reduce_sum3A_136[0, 0] : f32 from vector<1x1xf32>
    %add3A_138 = arith.addf %add3A_125, %reduce_sum3A_137 : f32
    %slice3A_139 = vector.extract_strided_slice %dot_general3A_26 {offsets = [0, 1152], sizes = [2048, 128], strides = [1, 1]} : vector<2048x2048xf32> to vector<2048x128xf32>
    %min3A_140 = arith.minimumf %min3A_127, %slice3A_139 : vector<2048x128xf32>
    %reduce_min3A_141 = arith.constant dense<0x7F800000> : vector<128xf32>
    %reduce_min3A_142 = vector.multi_reduction <minimumf>, %slice3A_139, %reduce_min3A_141 [0] : vector<2048x128xf32> to vector<128xf32>
    %max3A_143 = arith.constant 0.000000e+00 : f32
    %max3A_144 = vector.broadcast %max3A_143 : f32 to vector<128xf32>
    %max3A_145 = arith.maximumf %reduce_min3A_142, %max3A_144 : vector<128xf32>
    %reduce_sum3A_146 = vector.shape_cast %max3A_145 : vector<128xf32> to vector<1x128xf32>
    %reduce_sum3A_147 = arith.constant dense<0.000000e+00> : vector<1xf32>
    %reduce_sum3A_148 = vector.multi_reduction <add>, %reduce_sum3A_146, %reduce_sum3A_147 [1] : vector<1x128xf32> to vector<1xf32>
    %reduce_sum3A_149 = vector.shape_cast %reduce_sum3A_148 : vector<1xf32> to vector<1x1xf32>
    %reduce_sum3A_150 = vector.extract %reduce_sum3A_149[0, 0] : f32 from vector<1x1xf32>
    %add3A_151 = arith.addf %add3A_138, %reduce_sum3A_150 : f32
    %slice3A_152 = vector.extract_strided_slice %dot_general3A_26 {offsets = [0, 1280], sizes = [2048, 128], strides = [1, 1]} : vector<2048x2048xf32> to vector<2048x128xf32>
    %min3A_153 = arith.minimumf %min3A_140, %slice3A_152 : vector<2048x128xf32>
    %reduce_min3A_154 = arith.constant dense<0x7F800000> : vector<128xf32>
    %reduce_min3A_155 = vector.multi_reduction <minimumf>, %slice3A_152, %reduce_min3A_154 [0] : vector<2048x128xf32> to vector<128xf32>
    %max3A_156 = arith.constant 0.000000e+00 : f32
    %max3A_157 = vector.broadcast %max3A_156 : f32 to vector<128xf32>
    %max3A_158 = arith.maximumf %reduce_min3A_155, %max3A_157 : vector<128xf32>
    %reduce_sum3A_159 = vector.shape_cast %max3A_158 : vector<128xf32> to vector<1x128xf32>
    %reduce_sum3A_160 = arith.constant dense<0.000000e+00> : vector<1xf32>
    %reduce_sum3A_161 = vector.multi_reduction <add>, %reduce_sum3A_159, %reduce_sum3A_160 [1] : vector<1x128xf32> to vector<1xf32>
    %reduce_sum3A_162 = vector.shape_cast %reduce_sum3A_161 : vector<1xf32> to vector<1x1xf32>
    %reduce_sum3A_163 = vector.extract %reduce_sum3A_162[0, 0] : f32 from vector<1x1xf32>
    %add3A_164 = arith.addf %add3A_151, %reduce_sum3A_163 : f32
    %slice3A_165 = vector.extract_strided_slice %dot_general3A_26 {offsets = [0, 1408], sizes = [2048, 128], strides = [1, 1]} : vector<2048x2048xf32> to vector<2048x128xf32>
    %min3A_166 = arith.minimumf %min3A_153, %slice3A_165 : vector<2048x128xf32>
    %reduce_min3A_167 = arith.constant dense<0x7F800000> : vector<128xf32>
    %reduce_min3A_168 = vector.multi_reduction <minimumf>, %slice3A_165, %reduce_min3A_167 [0] : vector<2048x128xf32> to vector<128xf32>
    %max3A_169 = arith.constant 0.000000e+00 : f32
    %max3A_170 = vector.broadcast %max3A_169 : f32 to vector<128xf32>
    %max3A_171 = arith.maximumf %reduce_min3A_168, %max3A_170 : vector<128xf32>
    %reduce_sum3A_172 = vector.shape_cast %max3A_171 : vector<128xf32> to vector<1x128xf32>
    %reduce_sum3A_173 = arith.constant dense<0.000000e+00> : vector<1xf32>
    %reduce_sum3A_174 = vector.multi_reduction <add>, %reduce_sum3A_172, %reduce_sum3A_173 [1] : vector<1x128xf32> to vector<1xf32>
    %reduce_sum3A_175 = vector.shape_cast %reduce_sum3A_174 : vector<1xf32> to vector<1x1xf32>
    %reduce_sum3A_176 = vector.extract %reduce_sum3A_175[0, 0] : f32 from vector<1x1xf32>
    %add3A_177 = arith.addf %add3A_164, %reduce_sum3A_176 : f32
    %slice3A_178 = vector.extract_strided_slice %dot_general3A_26 {offsets = [0, 1536], sizes = [2048, 128], strides = [1, 1]} : vector<2048x2048xf32> to vector<2048x128xf32>
    %min3A_179 = arith.minimumf %min3A_166, %slice3A_178 : vector<2048x128xf32>
    %reduce_min3A_180 = arith.constant dense<0x7F800000> : vector<128xf32>
    %reduce_min3A_181 = vector.multi_reduction <minimumf>, %slice3A_178, %reduce_min3A_180 [0] : vector<2048x128xf32> to vector<128xf32>
    %max3A_182 = arith.constant 0.000000e+00 : f32
    %max3A_183 = vector.broadcast %max3A_182 : f32 to vector<128xf32>
    %max3A_184 = arith.maximumf %reduce_min3A_181, %max3A_183 : vector<128xf32>
    %reduce_sum3A_185 = vector.shape_cast %max3A_184 : vector<128xf32> to vector<1x128xf32>
    %reduce_sum3A_186 = arith.constant dense<0.000000e+00> : vector<1xf32>
    %reduce_sum3A_187 = vector.multi_reduction <add>, %reduce_sum3A_185, %reduce_sum3A_186 [1] : vector<1x128xf32> to vector<1xf32>
    %reduce_sum3A_188 = vector.shape_cast %reduce_sum3A_187 : vector<1xf32> to vector<1x1xf32>
    %reduce_sum3A_189 = vector.extract %reduce_sum3A_188[0, 0] : f32 from vector<1x1xf32>
    %add3A_190 = arith.addf %add3A_177, %reduce_sum3A_189 : f32
    %slice3A_191 = vector.extract_strided_slice %dot_general3A_26 {offsets = [0, 1664], sizes = [2048, 128], strides = [1, 1]} : vector<2048x2048xf32> to vector<2048x128xf32>
    %min3A_192 = arith.minimumf %min3A_179, %slice3A_191 : vector<2048x128xf32>
    %reduce_min3A_193 = arith.constant dense<0x7F800000> : vector<128xf32>
    %reduce_min3A_194 = vector.multi_reduction <minimumf>, %slice3A_191, %reduce_min3A_193 [0] : vector<2048x128xf32> to vector<128xf32>
    %max3A_195 = arith.constant 0.000000e+00 : f32
    %max3A_196 = vector.broadcast %max3A_195 : f32 to vector<128xf32>
    %max3A_197 = arith.maximumf %reduce_min3A_194, %max3A_196 : vector<128xf32>
    %reduce_sum3A_198 = vector.shape_cast %max3A_197 : vector<128xf32> to vector<1x128xf32>
    %reduce_sum3A_199 = arith.constant dense<0.000000e+00> : vector<1xf32>
    %reduce_sum3A_200 = vector.multi_reduction <add>, %reduce_sum3A_198, %reduce_sum3A_199 [1] : vector<1x128xf32> to vector<1xf32>
    %reduce_sum3A_201 = vector.shape_cast %reduce_sum3A_200 : vector<1xf32> to vector<1x1xf32>
    %reduce_sum3A_202 = vector.extract %reduce_sum3A_201[0, 0] : f32 from vector<1x1xf32>
    %add3A_203 = arith.addf %add3A_190, %reduce_sum3A_202 : f32
    %slice3A_204 = vector.extract_strided_slice %dot_general3A_26 {offsets = [0, 1792], sizes = [2048, 128], strides = [1, 1]} : vector<2048x2048xf32> to vector<2048x128xf32>
    %min3A_205 = arith.minimumf %min3A_192, %slice3A_204 : vector<2048x128xf32>
    %reduce_min3A_206 = arith.constant dense<0x7F800000> : vector<128xf32>
    %reduce_min3A_207 = vector.multi_reduction <minimumf>, %slice3A_204, %reduce_min3A_206 [0] : vector<2048x128xf32> to vector<128xf32>
    %max3A_208 = arith.constant 0.000000e+00 : f32
    %max3A_209 = vector.broadcast %max3A_208 : f32 to vector<128xf32>
    %max3A_210 = arith.maximumf %reduce_min3A_207, %max3A_209 : vector<128xf32>
    %reduce_sum3A_211 = vector.shape_cast %max3A_210 : vector<128xf32> to vector<1x128xf32>
    %reduce_sum3A_212 = arith.constant dense<0.000000e+00> : vector<1xf32>
    %reduce_sum3A_213 = vector.multi_reduction <add>, %reduce_sum3A_211, %reduce_sum3A_212 [1] : vector<1x128xf32> to vector<1xf32>
    %reduce_sum3A_214 = vector.shape_cast %reduce_sum3A_213 : vector<1xf32> to vector<1x1xf32>
    %reduce_sum3A_215 = vector.extract %reduce_sum3A_214[0, 0] : f32 from vector<1x1xf32>
    %add3A_216 = arith.addf %add3A_203, %reduce_sum3A_215 : f32
    %slice3A_217 = vector.extract_strided_slice %dot_general3A_26 {offsets = [0, 1920], sizes = [2048, 128], strides = [1, 1]} : vector<2048x2048xf32> to vector<2048x128xf32>
    %min3A_218 = arith.minimumf %min3A_205, %slice3A_217 : vector<2048x128xf32>
    %reduce_min3A_219 = arith.constant dense<0x7F800000> : vector<128xf32>
    %reduce_min3A_220 = vector.multi_reduction <minimumf>, %slice3A_217, %reduce_min3A_219 [0] : vector<2048x128xf32> to vector<128xf32>
    %max3A_221 = arith.constant 0.000000e+00 : f32
    %max3A_222 = vector.broadcast %max3A_221 : f32 to vector<128xf32>
    %max3A_223 = arith.maximumf %reduce_min3A_220, %max3A_222 : vector<128xf32>
    %reduce_sum3A_224 = vector.shape_cast %max3A_223 : vector<128xf32> to vector<1x128xf32>
    %reduce_sum3A_225 = arith.constant dense<0.000000e+00> : vector<1xf32>
    %reduce_sum3A_226 = vector.multi_reduction <add>, %reduce_sum3A_224, %reduce_sum3A_225 [1] : vector<1x128xf32> to vector<1xf32>
    %reduce_sum3A_227 = vector.shape_cast %reduce_sum3A_226 : vector<1xf32> to vector<1x1xf32>
    %reduce_sum3A_228 = vector.extract %reduce_sum3A_227[0, 0] : f32 from vector<1x1xf32>
    %add3A_229 = arith.addf %add3A_216, %reduce_sum3A_228 : f32
    %reduce_min3A_230 = arith.constant dense<0x7F800000> : vector<2048xf32>
    %reduce_min3A_231 = vector.multi_reduction <minimumf>, %min3A_218, %reduce_min3A_230 [1] : vector<2048x128xf32> to vector<2048xf32>
    %max3A_232 = arith.constant 0.000000e+00 : f32
    %max3A_233 = vector.broadcast %max3A_232 : f32 to vector<2048xf32>
    %max3A_234 = arith.maximumf %reduce_min3A_231, %max3A_233 : vector<2048xf32>
    %reduce_sum3A_235 = vector.shape_cast %max3A_234 : vector<2048xf32> to vector<1x2048xf32>
    %reduce_sum3A_236 = arith.constant dense<0.000000e+00> : vector<1xf32>
    %reduce_sum3A_237 = vector.multi_reduction <add>, %reduce_sum3A_235, %reduce_sum3A_236 [1] : vector<1x2048xf32> to vector<1xf32>
    %reduce_sum3A_238 = vector.shape_cast %reduce_sum3A_237 : vector<1xf32> to vector<1x1xf32>
    %reduce_sum3A_239 = vector.extract %reduce_sum3A_238[0, 0] : f32 from vector<1x1xf32>
    %add3A_240 = arith.addf %add3A_229, %reduce_sum3A_239 : f32
    %eq3A = arith.constant 0 : i32
    %eq3A_241 = arith.cmpi eq, %arg0, %eq3A : i32
    %convert_element_type3A = arith.extui %eq3A_241 : i1 to i32
    %cond3A = arith.constant 0 : i32
    %cond3A_242 = arith.cmpi ne, %convert_element_type3A, %cond3A : i32
    scf.if %cond3A_242 {
      %swap3A_254 = arith.constant 0.000000e+00 : f32
      %swap3A_255 = arith.constant 0 : index
      %swap3A_256 = arith.constant 0 : index
      %swap3A_257 = memref.load %arg4[%swap3A_255, %swap3A_256] : memref<1x1xf32, #tpu.memory_space<smem>>
      memref.store %swap3A_254, %arg4[%swap3A_255, %swap3A_256] : memref<1x1xf32, #tpu.memory_space<smem>>
    } else {
    }
    %get3A_243 = arith.constant 0 : index
    %get3A_244 = arith.constant 0 : index
    %get3A_245 = memref.load %arg4[%get3A_243, %get3A_244] : memref<1x1xf32, #tpu.memory_space<smem>>
    %add3A_246 = arith.addf %get3A_245, %add3A_240 : f32
    %swap3A = arith.constant 0 : index
    %swap3A_247 = arith.constant 0 : index
    %swap3A_248 = memref.load %arg4[%swap3A, %swap3A_247] : memref<1x1xf32, #tpu.memory_space<smem>>
    memref.store %add3A_246, %arg4[%swap3A, %swap3A_247] : memref<1x1xf32, #tpu.memory_space<smem>>
    %eq3A_249 = arith.constant 6 : i32
    %eq3A_250 = arith.cmpi eq, %arg0, %eq3A_249 : i32
    %convert_element_type3A_251 = arith.extui %eq3A_250 : i1 to i32
    %cond3A_252 = arith.constant 0 : i32
    %cond3A_253 = arith.cmpi ne, %convert_element_type3A_251, %cond3A_252 : i32
    scf.if %cond3A_253 {
      %get3A_254 = arith.constant 0 : index
      %get3A_255 = arith.constant 0 : index
      %get3A_256 = memref.load %arg4[%get3A_254, %get3A_255] : memref<1x1xf32, #tpu.memory_space<smem>>
      %swap3A_257 = arith.constant 0 : index
      %swap3A_258 = arith.constant 0 : index
      %swap3A_259 = memref.load %arg3[%swap3A_257, %swap3A_258] : memref<1x1xf32, #tpu.memory_space<smem>>
      memref.store %get3A_256, %arg3[%swap3A_257, %swap3A_258] : memref<1x1xf32, #tpu.memory_space<smem>>
    } else {
    }
    return
  }
  func.func @transform_0(%arg0: i32) -> (i32, i32, i32) {
    %c0_i32 = arith.constant 0 : i32
    %c0_i32_0 = arith.constant 0 : i32
    %c0_i32_1 = arith.constant 0 : i32
    return %arg0, %c0_i32, %c0_i32_0 : i32, i32, i32
  }
  func.func @transform_1(%arg0: i32) -> (i32, i32, i32) {
    %c0_i32 = arith.constant 0 : i32
    %c0_i32_0 = arith.constant 0 : i32
    %c0_i32_1 = arith.constant 0 : i32
    return %arg0, %c0_i32, %c0_i32_0 : i32, i32, i32
  }
  func.func @transform_2(%arg0: i32) -> (i32, i32) {
    %c0_i32 = arith.constant 0 : i32
    %c0_i32_0 = arith.constant 0 : i32
    %c0_i32_1 = arith.constant 0 : i32
    return %c0_i32, %c0_i32_0 : i32, i32
  }
}

</mosaic_0001>

<sc_bundles>
// kernel: kernel.5.cloned.1.call-start
scs
__scs_entry_jumppad:
0x0: {  	(pc) =	sbr.rel $0x88, $3  }
0x1: {  	(tag) =	ssettag $0x0;
	lr =	simm.s32 $0x1  }
0x2: {  	[smem:$0x3F9F] =	sst lr;
	_ =	strace $0xD0000000  }
0x3: {  	_ = 	snop  }
0x4: {  	_ = 	snop  }
0x5: {  	_ = 	snop  }
0x6: {  	_ = 	snop  }
0x7: {  	_ = 	snop  }
__scs_overlays_trampoline_lowered:
0x8: {  	[smem:$0x3FAE] =	sst s0  }
0x9: {  	[smem:$0x3FAF] =	sst s1  }
0xa: {  	[smem:$0x3FB0] =	sst s2  }
0xb: {  	[smem:$0x3FB1] =	sst s3  }
0xc: {  	[smem:$0x3FB2] =	sst s4  }
0xd: {  	[smem:$0x3FB3] =	sst s5  }
0xe: {  	[smem:$0x3FB4] =	sst s6  }
0xf: {  	[smem:$0x3FB5] =	sst s7  }
0x10: {  	[smem:$0x3FB6] =	sst s8  }
0x11: {  	[smem:$0x3FB7] =	sst s9;
	s0 =	simm.s32 @!p0 $0x0  }
0x12: {  	s1 =	sld [smem:$0x3F9D];
	s0 =	simm.s32 @p0 $0x1  }
0x13: {  	[smem:$0x3FB8] =	sst s0;
	s0 =	simm.s32 @!p1 $0x0  }
0x14: {  	s2 =	sld [smem:$0x3F9C];
	s0 =	simm.s32 @p1 $0x1  }
0x15: {  	[smem:$0x3FB9] =	sst s0;
	s0 =	simm.s32 @!p2 $0x0  }
0x16: {  	s3 =	sld [smem:$0x3FDB];
	s0 =	simm.s32 @p2 $0x1  }
0x17: {  	s4 =	simm.s32 $0x1BF5;
	[smem:$0x3FBB] =	sst s0  }
0x18: {  	s0 =	sld [smem:$0x3F9E];
	_ =	swait.ge [sflag:s4], $0x0  }
0x19: {  	s7 =	sld [smem:$0x3F9F]  }
0x1a: {  	s8 =	sadd.s32 $0xFFFFE003, lr  }
0x1b: {  	s9 =	sadd.s32 $0xFFFFFEF7, lr;
	s5 =	simm.s32 $0xFFFFFFFF;
	p2 =	slt.u32 s8, $0xFFFFF086  }
0x1c: {  	p1 =	slt.u32 s9, $0xF7A;
	s5 =	simm.s32 @!p2 $0x0  }
0x1d: {  	s5 =	simm.s32 @p1 $0x1;
	p0 =	seq.s32 s7, s2  }
0x1e: {  	s7 =	smul.u32 @!p0 $0xF7A, s2;
	p2 =	seq.s32 @!p0 s5, $0x0  }
0x1f: {  	s9 =	smul.u32 $0xF7A, s1;
	s8 =	simm.s32 @!p0 $0x1BF5;
	p2 =	por !p2, p0  }
0x20: {  	[sflag:s8] =	ssyncset.s32 @!p0 $0xFFFFF086;
	s6 =	sadd.s32 @!p0 s3, s7;
	s7 =	simm.s32 @!p0 $0x108  }
0x21: {  	s3 =	sadd.s32 s3, s9;
	s6 =	sadd.s32 @!p0 $0x88, s6;
	s7 =	simm.s32 @p2 $0x1082  }
0x22: {  	[simem:s7], [sflag:s8] =	dma.local @!p0 [hbm:s6], $0xF7A  }
0x23: {  	s9 =	sor.u32 $0xD0000000, s2;
	s6 =	simm.s32 $0x108;
	_ =	swait.ge @!p0 [sflag:s8], $0x0  }
0x24: {  	s3 =	sadd.s32 $0x88, s3;
	s6 =	simm.s32 @!p1 $0x1082;
	[sflag:s4] =	ssyncset.s32 $0xFFFFF086  }
0x25: {  	[simem:s6], [sflag:s4] =	dma.local [hbm:s3], $0xF7A  }
0x26: {  	[smem:$0x3F9F] =	sst s1;
	(tag) =	ssettag s2;
	_ =	strace s9  }
0x27: {  	s1 =	sld [smem:$0x3FAF]  }
0x28: {  	s2 =	sld [smem:$0x3FB0]  }
0x29: {  	s4 =	sld [smem:$0x3FB2]  }
0x2a: {  	p0 =	seq.s32 s5, $0x0;
	s5 =	sld [smem:$0x3FB3]  }
0x2b: {  	s6 =	sld [smem:$0x3FB4]  }
0x2c: {  	s7 =	sld [smem:$0x3FB5]  }
0x2d: {  	s3 =	simm.s32 $0x108;
	s8 =	sld [smem:$0x3FB6]  }
0x2e: {  	s3 =	simm.s32 @!p0 $0x1082;
	s9 =	sld [smem:$0x3FB7]  }
0x2f: {  	lr =	sadd.s32 s0, s3;
	s0 =	sld [smem:$0x3FAE]  }
0x30: {  	s3 =	sld [smem:$0x3FB1]  }
0x31: {  	[smem:$0x3FBA] =	sst s10  }
0x32: {  	s10 =	sld [smem:$0x3FB8];
	_ =	sdelay $0x3  }
0x33: {  	p0 =	seq.s32 s10, $0x1;
	s10 =	sld [smem:$0x3FBA];
	_ =	sdelay $0x3  }
0x34: {  	[smem:$0x3FBA] =	sst s10  }
0x35: {  	s10 =	sld [smem:$0x3FB9];
	_ =	sdelay $0x3  }
0x36: {  	p1 =	seq.s32 s10, $0x1;
	s10 =	sld [smem:$0x3FBA];
	_ =	sdelay $0x3  }
0x37: {  	[smem:$0x3FBA] =	sst s10  }
0x38: {  	s10 =	sld [smem:$0x3FBB]  }
0x39: {  	_ = 	snop;
	(pc) =	sbr.ind lr, $3  }
0x3a: {  	_ = 	snop  }
0x3b: {  	_ = 	snop  }
0x3c: {  	p2 =	seq.s32 s10, $0x1;
	s10 =	sld [smem:$0x3FBA]  }
0x3d: {  	_ =	shalt  }
0x3e: {  	_ =	shalt  }
0x3f: {  	_ =	shalt  }
0x40: {  	_ =	shalt  }
0x41: {  	_ =	shalt  }
0x42: {  	_ =	shalt  }
0x43: {  	_ =	shalt  }
0x44: {  	_ =	shalt  }
0x45: {  	_ =	shalt  }
0x46: {  	_ =	shalt  }
0x47: {  	_ =	shalt  }
0x48: {  	_ =	shalt  }
0x49: {  	_ =	shalt  }
0x4a: {  	_ =	shalt  }
0x4b: {  	_ =	shalt  }
0x4c: {  	_ =	shalt  }
0x4d: {  	_ =	shalt  }
0x4e: {  	_ =	shalt  }
0x4f: {  	_ =	shalt  }
0x50: {  	_ =	shalt  }
0x51: {  	_ =	shalt  }
0x52: {  	_ =	shalt  }
0x53: {  	_ =	shalt  }
0x54: {  	_ =	shalt  }
0x55: {  	_ =	shalt  }
0x56: {  	_ =	shalt  }
0x57: {  	_ =	shalt  }
0x58: {  	_ =	shalt  }
0x59: {  	_ =	shalt  }
0x5a: {  	_ =	shalt  }
0x5b: {  	_ =	shalt  }
0x5c: {  	_ =	shalt  }
0x5d: {  	_ =	shalt  }
0x5e: {  	_ =	shalt  }
0x5f: {  	_ =	shalt  }
0x60: {  	_ =	shalt  }
0x61: {  	_ =	shalt  }
0x62: {  	_ =	shalt  }
0x63: {  	_ =	shalt  }
0x64: {  	_ =	shalt  }
0x65: {  	_ =	shalt  }
0x66: {  	_ =	shalt  }
0x67: {  	_ =	shalt  }
0x68: {  	_ =	shalt  }
0x69: {  	_ =	shalt  }
0x6a: {  	_ =	shalt  }
0x6b: {  	_ =	shalt  }
0x6c: {  	_ =	shalt  }
0x6d: {  	_ =	shalt  }
0x6e: {  	_ =	shalt  }
0x6f: {  	_ =	shalt  }
0x70: {  	_ =	shalt  }
0x71: {  	_ =	shalt  }
0x72: {  	_ =	shalt  }
0x73: {  	_ =	shalt  }
0x74: {  	_ =	shalt  }
0x75: {  	_ =	shalt  }
0x76: {  	_ =	shalt  }
0x77: {  	_ =	shalt  }
0x78: {  	_ =	shalt  }
0x79: {  	_ =	shalt  }
0x7a: {  	_ =	shalt  }
0x7b: {  	_ =	shalt  }
0x7c: {  	_ =	shalt  }
0x7d: {  	_ =	shalt  }
0x7e: {  	_ =	shalt  }
0x7f: {  	_ =	shalt  }
0x80: {  	_ =	shalt  }
0x81: {  	_ =	shalt  }
0x82: {  	_ =	shalt  }
0x83: {  	_ =	shalt  }
0x84: {  	_ =	shalt  }
0x85: {  	_ =	shalt  }
0x86: {  	_ =	shalt  }
0x87: {  	_ =	shalt  }
.Lfunc_end0:
.L_simem_size_0:
called_computation_lowered:
.L_overlay_start_0:
0x88: {  	s2 =	sld [smem:$0x3FD9]  }
0x89: {  	s3 =	sld [smem:$0x3FFE];
	_ =	sdelay $0x1  }
0x8a: {  	s1 =	srdreg.scid  }
0x8b: {  	s0 =	sand.u32 $0x1, s1  }
0x8c: {  	s16 =	sshll.u32 s0, $0xA;
	s2 =	sadd.s32 s3, s2  }
0x8d: {  	s2 =	sadd.s32 s2, s16  }
0x8e: {  	[smem:$0x3FC6] =	sst s2  }
0x8f: {  	_ = 	snop  }
0x90: {  	(tm) =	ssettm $0x1  }
0x91: {  	s17 =	sld [smem:$0x3FFB];
	_ =	sdelay $0x3  }
0x92: {  	_ =	strace s17  }
0x93: {  	s2 =	sld [smem:$0x3FFC];
	_ =	sdelay $0x3  }
0x94: {  	_ =	strace s2  }
0x95: {  	s2 =	sld [smem:$0x3FFD];
	_ =	sdelay $0x3  }
0x96: {  	_ =	strace s2  }
0x97: {  	_ =	strace $0x8FFFFFFF  }
0x98: {  	s18 =	sld [smem:$0x3FDB];
	_ =	sdelay $0x1  }
0x99: {  	s19 =	simm.s32 $_scs_section_size  }
0x9a: {  	s4 =	simm.s32 $_size__tile_overlayer_lowered;
	s5 =	simm.s32 $_tile_overlayer_lowered  }
0x9b: {  	s22 =	simm.s32 $0x1BFF;
	s21 =	sshll.u32 s5, $0x1;
	s2 =	sadd.s32 s19, s18  }
0x9c: {  	s6 =	simm.s32 $0x0;
	s20 =	sshll.u32 s4, $0x1;
	s4 =	sadd.s32 s21, s2  }
0x9d: {  	[timem:s6], [sflag:s22] =	dma.local [hbm:s4], s20  }
0x9e: {  	_ =	swait.ge [sflag:s22], s20  }
0x9f: {  	s3 =	ssub.s32 $0x0, s20;
	[sflag:s22] =	ssyncset.done $0x0  }
0xa0: {  	[sflag:s22] =	ssyncadd.s32 s3;
	_ =	sdelay $0x1  }
0xa1: {  	s23 =	simm.s32 $0x1B8B  }
0xa2: {  	_ =	swait.ge [sflag:s23], $0x1  }
0xa3: {  	[sflag:s23] =	ssyncset.done $0x0  }
0xa4: {  	s25 =	simm.s32 $0x1B8E;
	s24 =	sld [smem:$0x3FFE];
	[sflag:s23] =	ssyncadd.s32 $0xFFFFFFFF  }
0xa5: {  	s26 =	simm.s32 $execute0_lowered;
	[smem:$0x3FD2] =	sst s25  }
0xa6: {  	s4 =	sshll.u32 s26, $0x1;
	_ =	strace $0x80000046;
	[dreg:$0x1] =	wrdreg $0xFFFFFFFF  }
0xa7: {  	s28 =	simm.s32 $_size_execute0_lowered;
	s2 =	sadd.s32 s2, s4;
	[dreg:$0x0] =	wrdreg $0x0  }
0xa8: {  	s4 =	sshll.u32 s28, $0x1;
	[dreg:$0x2] =	wrdreg s2  }
0xa9: {  	[dreg:$0x3] =	wrdreg s4  }
0xaa: {  	[dreg:$0x4] =	wrdreg $0xC0  }
0xab: {  	_ =	task [dreg:s6], $0x5FFFF  }
0xac: {  	[dreg:$0x1] =	wrdreg $0xFFFFFFFF  }
0xad: {  	[dreg:$0x0] =	wrdreg $0x60  }
0xae: {  	[dreg:$0x2] =	wrdreg s24  }
0xaf: {  	[dreg:$0x3] =	wrdreg $0x9  }
0xb0: {  	_ =	task.clear_ibuf [dreg:s6], $0x4FFFF;
	_ =	strace $0x90000046  }
0xb1: {  	s29 =	simm.s32 $0x9;
	_ =	strace $0x80000048  }
0xb2: {  	_ =	swait.ge [sflag:s29], $0x1  }
0xb3: {  	[sflag:s29] =	ssyncadd.s32 $0xFFFFFFFF  }
0xb4: {  	_ =	strace $0x90000048  }
0xb5: {  	_ =	sfence  }
0xb6: {  	s30 =	sld [smem:$0x0];
	_ =	sdelay $0x2  }
0xb7: {  	s31 =	sshll.u32 s1, $0xD;
	s1 =	sshrl.u32 s1, $0x2  }
0xb8: {  	s3 =	sand.u32 $0x4000, s31;
	s1 =	sadd.s32 s1, s30  }
0xb9: {  	s0 =	sor.u32 s3, s0;
	s1 =	sshll.u32 s1, $0x11  }
0xba: {  	s0 =	sor.u32 s1, s0  }
0xbb: {  	s0 =	sadd.s32 $0x8F2B, s0  }
0xbc: {  	[sflag:s0] =	ssyncadd.remote.s32 $0x1  }
0xbd: {  	_ =	sfence.sel $0xFFFF  }
0xbe: {  	[dreg:$0x0] =	wrdreg $0xFFFFFFFF;
	(pc) =	sbr.abs _section_cstart, $3  }
0xbf: {  	[dreg:$0x1] =	wrdreg $0xFFFFFFFF  }
0xc0: {  	_ =	task.clear_ibuf [dreg:s6], $0x2FFFF;
	_ =	strace $0x9FFFFFFF  }
0xc1: {  	(tm) =	ssettm $0x7FFFFFFF  }
tec
execute0_lowered:
.L_overlay_start_1:
0x0: {  	(tag) =	ssettag $0x1  }
0x1: {  	v0 =	vimm.s32 $0xFEDCBA9;
	v1 =	vimm.s32 $0x87654321  }
0x2: {  	v0 =	vunpack.c.l.s4.s8 v0;
	v1 =	vunpack.c.l.s4.s8 v1  }
0x3: {  	v45 =	vimm.s32 $0xEDCBA987;
	v46 =	vimm.s32 $0x6543210F  }
0x4: {  	v48 =	vimm.s32 $0xDCBA9876;
	v2 =	vunpack.c.0.s8.s32 v0;
	v1 =	vunpack.c.0.s8.s32 v1  }
0x5: {  	v49 =	vimm.s32 $0x543210FE;
	v50 =	vimm.s32 $0xCBA98765;
	v0 =	vunpack.c.l.s4.s8 v45  }
0x6: {  	v3 =	vimm.s32 $0x43210FED;
	v4 =	vimm.s32 $0xBA987654;
	[tilespmem:$0x1FEF0] =	vst v2;
	v2 =	vcombine.low v1, v2  }
0x7: {  	v3 =	vunpack.c.l.s4.s8 v3;
	[tilespmem:$0x1FF00] =	vst v1;
	v1 =	vunpack.c.l.s4.s8 v46;
	v0 =	vunpack.c.0.s8.s32 v0  }
0x8: {  	s4 =	rddreg [dreg:$0x0];
	s2 =	srdreg.scid;
	v5 =	vimm.s32 $0x3210FEDC;
	v56 =	vimm.s32 $0xA9876543;
	v4 =	vunpack.c.l.s4.s8 v4;
	[tilespmem:$0x1FF10] =	vst v2  }
0x9: {  	s0 =	rddreg [dreg:$0x1];
	s1 =	stileid.u32;
	v54 =	vunpack.c.0.s8.s32 v3;
	v2 =	vand.u32 $0xF, v2;
	[tilespmem:$0x1FF30] =	vst v0;
	v47 =	vunpack.c.0.s8.s32 v1  }
0xa: {  	s11 =	simm.s32 $0x80;
	s5 =	sand.u32 $0x1, s2;
	s2 =	simm.s32 $0x0;
	v55 =	vunpack.c.0.s8.s32 v4;
	v4 =	vimm.s32 $0x98765432;
	v0 =	vunpack.c.l.s4.s8 v48;
	[tilespmem:$0x1FF20] =	vst v2  }
0xb: {  	s12 =	simm.s32 $0x100;
	s13 =	simm.s32 $0x200;
	v52 =	vunpack.c.l.s4.s8 v5;
	v5 =	vimm.s32 $0x10FEDCBA;
	[smem:$0x7FF] =	sst s2;
	v4 =	vunpack.c.l.s4.s8 v4;
	[tilespmem:$0x1FF40] =	vst v47  }
0xc: {  	s14 =	simm.s32 $0x2A00;
	s15 =	simm.s32 $0x400;
	v5 =	vunpack.c.l.s4.s8 v5;
	v0 =	vunpack.c.0.s8.s32 v0;
	_ =	strace $0x80000047;
	[tilespmem:$0x1FF80] =	vst v54  }
0xd: {  	v57 =	vimm.s32 $0xFEDCBA98;
	s16 =	simm.s32 $0x2200;
	s17 =	simm.s32 $0x0;
	s6 =	sshll.u32 s1, $0x6;
	v62 =	vunpack.c.0.s8.s32 v4;
	v1 =	vunpack.c.l.s4.s8 v49;
	[tilespmem:$0x1FF90] =	vst v55  }
0xe: {  	v59 =	vimm.s32 $0x76543210;
	s28 =	sshll.u32 s1, $0x8;
	s7 =	sshrl.u32 s1, $0x2;
	s3 =	sshll.u32 s5, $0x3;
	v63 =	vunpack.c.0.s8.s32 v5;
	[tilespmem:$0x1FF50] =	vst v0;
	v0 =	vunpack.c.0.s8.s32 v52  }
0xf: {  	s8 =	sshll.u32 s5, $0x7;
	s9 =	sshll.u32 s7, $0xA;
	s3 =	sor.u32 s3, s6;
	v2 =	vunpack.c.l.s4.s8 v50;
	v51 =	vunpack.c.0.s8.s32 v1;
	v1 =	vunpack.c.l.s4.s8 v57;
	[tilespmem:$0x1FFD0] =	vst v62  }
0x10: {  	v58 =	vimm.s32 $0x210FEDCB;
	s30 =	ssub.s32 $0x2, s5;
	v3 =	vunpack.c.l.s4.s8 v59;
	s6 =	sadd.s32 s3, s4;
	s3 =	sand.u32 $0x300, s28;
	[tilespmem:$0x1FFA0] =	vst v0;
	v0 =	vunpack.c.l.s4.s8 v56  }
0x11: {  	s7 =	sshll.u32 s7, $0xE;
	s31 =	sshrl.u32 s30, $0x1;
	s8 =	sor.u32 s8, s3;
	v53 =	vunpack.c.0.s8.s32 v2;
	v2 =	vunpack.c.l.s4.s8 v58;
	[tilespmem:$0x1FFE0] =	vst v63;
	v1 =	vunpack.c.0.s8.s32 v1  }
0x12: {  	s3 =	sadd.s32 $0x1000, s4;
	v3 =	vunpack.c.0.s8.s32 v3;
	s9 =	sor.u32 s9, s8;
	s7 =	sor.u32 s7, s8;
	[tilespmem:$0x1FF60] =	vst v51;
	v0 =	vunpack.c.0.s8.s32 v0  }
0x13: {  	s5 =	sadd.s32 $0xC10, s6;
	s29 =	sshrl.u32 s9, $0x3;
	s7 =	sshrl.u32 s7, $0x3;
	[tilespmem:$0x1FF70] =	vst v53;
	v60 =	vunpack.c.0.s8.s32 v2;
	v61 =	vand.u32 $0xF, v1  }
0x14: {  	s9 =	ssub.s32 s30, s31;
	s8 =	sadd.s32 s29, s4;
	s10 =	sadd.s32 s7, s4;
	[tilespmem:$0x1FFB0] =	vst v0;
	v0 =	vcombine.low v61, v3  }
0x15: {  	s4 =	sadd.s32 $0xC00, s6;
	s6 =	sadd.s32 $0xC20, s6;
	s9 =	smax.u32 s9, $0x1;
	[tilespmem:$0x1FFC0] =	vst v60  }
0x16: {  	v6 =	vimm.f32 $1.000000020e+30;
	s7 =	sadd.s32 $0x3400, s8;
	s8 =	sadd.s32 $0x1400, s10;
	s10 =	simm.s32 $0x1;
	[tilespmem:$0x1FFF0] =	vst v0  }
.LBB2_1:
0x17: {  	[tilespmem:s2], [sflag:$0x1] =	stream.linear.gather [hbm4b:s4+s2], $0x40, $0x38;
	[tilespmem:$0x2A80] =	vst v63  }
0x18: {  	_ =	swait.ge [sflag:s10], $0x40  }
0x19: {  	[sflag:s10] =	ssyncset.done $0x0  }
0x1a: {  	[sflag:s10] =	ssyncadd.s32 $0xFFFFFFC0  }
0x1b: {  	[tilespmem:s11], [sflag:$0x1] =	stream.linear.gather [hbm4b:s5+s2], $0x40, $0x38;
	[tilespmem:$0x2A80] =	vst v63  }
0x1c: {  	_ =	swait.ge [sflag:s10], $0x40  }
0x1d: {  	[sflag:s10] =	ssyncset.done $0x0  }
0x1e: {  	[sflag:s10] =	ssyncadd.s32 $0xFFFFFFC0  }
0x1f: {  	[tilespmem:s12], [sflag:$0x1] =	stream.linear.gather [hbm4b:s6+s2], $0x40, $0x38;
	[tilespmem:$0x2A80] =	vst v63  }
0x20: {  	_ =	swait.ge [sflag:s10], $0x40  }
0x21: {  	[sflag:s10] =	ssyncset.done $0x0  }
0x22: {  	[sflag:s10] =	ssyncadd.s32 $0xFFFFFFC0  }
0x23: {  	[tilespmem:s13], [sflag:$0x1] =	stream.linear.gather [hbm4b:s3+s2], $0x2000, $0x38;
	[tilespmem:$0x2A80] =	vst v63  }
0x24: {  	_ =	swait.ge [sflag:s10], $0x2000  }
0x25: {  	[sflag:s10] =	ssyncset.done $0x0  }
0x26: {  	s18 =	simm.s32 $0x0;
	[sflag:s10] =	ssyncadd.s32 $0xFFFFE000  }
.LBB2_2:
0x27: {  	p0 =	sne.s32 s18, $0x1FC0  }
.Ltmp0:
0x28: {  	_ = 	snop;
	(pc) =	sbr.rel @p0 .LBB2_2-.Ltmp0, $3  }
0x29: {  	_ =	sdelay $0x1  }
0x2a: {  	s19 =	sshra.s32 s18, $0x2  }
0x2b: {  	s18 =	sadd.s32 $0x40, s18;
	[tilespmem:s19+$0x2200] =	vst v6  }
0x2c: {  	s18 =	simm.s32 $0x0;
	v0 =	vimm.f32 $0.0e+00;
	s19 =	simm.s32 $0x0  }
.LBB2_4:
0x2d: {  	s20 =	sshll.u32 s19, $0x4;
	v1 =	vld [tilespmem:$0x1FF20]  }
0x2e: {  	v3 =	vld [tilespmem:s20+$0x100];
	_ =	sdelay $0x2  }
0x2f: {  	[tilespmem:$0x1FBC0] =	vst v0;
	v0 =	vld [tilespmem:s20+$0x80];
	_ =	sdelay $0x1  }
0x30: {  	v6 =	vld [tilespmem:s20+$0x0];
	v5 =	vperm.xlane v3, v1;
	_ =	sdelay $0x1  }
0x31: {  	v8 =	vperm.xlane v5, v1  }
0x32: {  	[tilespmem:$0x1FBD0] =	vst v0  }
0x33: {  	v0 =	vperm.xlane v0, v1;
	[tilespmem:$0x1FD90] =	vst v3;
	v10 =	vperm.xlane v8, v1  }
0x34: {  	v12 =	vperm.xlane v6, v1;
	[tilespmem:$0x1FED0] =	vst v6  }
0x35: {  	[tilespmem:$0x1FBE0] =	vst v0;
	v13 =	vperm.xlane v10, v1  }
0x36: {  	v14 =	vperm.xlane v12, v1;
	v0 =	vperm.xlane v0, v1;
	[tilespmem:$0x1FD80] =	vst v5  }
0x37: {  	[tilespmem:$0x1FEC0] =	vst v12;
	v15 =	vperm.xlane v13, v1  }
0x38: {  	v16 =	vperm.xlane v14, v1;
	[tilespmem:$0x1FBF0] =	vst v0  }
0x39: {  	v0 =	vperm.xlane v0, v1;
	[tilespmem:$0x1FD70] =	vst v8;
	v18 =	vperm.xlane v15, v1  }
0x3a: {  	[tilespmem:$0x1FEB0] =	vst v14;
	v28 =	vperm.xlane v16, v1  }
0x3b: {  	[tilespmem:$0x1FC00] =	vst v0;
	v0 =	vperm.xlane v0, v1;
	v20 =	vperm.xlane v18, v1  }
0x3c: {  	[tilespmem:$0x1FD60] =	vst v10;
	v29 =	vperm.xlane v28, v1  }
0x3d: {  	[tilespmem:$0x1FC10] =	vst v0;
	v0 =	vperm.xlane v0, v1;
	v21 =	vperm.xlane v20, v1  }
0x3e: {  	[tilespmem:$0x1FE90] =	vst v16;
	v35 =	vperm.xlane v29, v1  }
0x3f: {  	s31 =	sand.u32 $0x70, s18;
	s21 =	sand.u32 $0x1E00, s18;
	[tilespmem:$0x1FC20] =	vst v0;
	v0 =	vperm.xlane v0, v1;
	v17 =	vperm.xlane v21, v1  }
0x40: {  	s20 =	sor.u32 s31, s21;
	[tilespmem:$0x1FD40] =	vst v13;
	v44 =	vperm.xlane v35, v1  }
0x41: {  	[tilespmem:$0x1FC30] =	vst v0;
	v2 =	vperm.xlane v0, v1;
	v0 =	vld [tilespmem:s20+$0x300];
	v19 =	vperm.xlane v17, v1  }
0x42: {  	[tilespmem:$0x1FE70] =	vst v28;
	v48 =	vperm.xlane v44, v1  }
0x43: {  	[tilespmem:$0x1FD10] =	vst v15;
	v9 =	vperm.xlane v19, v1  }
0x44: {  	v63 =	vimm.f32 $1.000000020e+30;
	[tilespmem:$0x1FD20] =	vst v18;
	v39 =	vperm.xlane v48, v1  }
0x45: {  	v62 =	vimm.f32 $1.000000020e+30;
	[tilespmem:$0x1FC40] =	vst v2;
	v2 =	vperm.xlane v2, v1;
	v11 =	vperm.xlane v9, v1  }
0x46: {  	v60 =	vimm.f32 $1.000000020e+30;
	[tilespmem:$0x1FCF0] =	vst v20;
	v20 =	vsub.f32 v20, v0;
	v42 =	vperm.xlane v39, v1  }
0x47: {  	[tilespmem:$0x1FC50] =	vst v2;
	v7 =	vperm.xlane v2, v1;
	v25 =	vsub.f32 v18, v0;
	v4 =	vperm.xlane v11, v1  }
0x48: {  	[tilespmem:$0x1FD00] =	vst v21;
	v27 =	vsub.f32 v13, v0;
	v32 =	vmul.f32 v20, v20;
	v33 =	vperm.xlane v42, v1  }
0x49: {  	v57 =	vimm.f32 $1.000000020e+30;
	[tilespmem:$0x1FC70] =	vst v7;
	v34 =	vmul.f32 v25, v25;
	v22 =	vperm.xlane v4, v1  }
0x4a: {  	[tilespmem:$0x1FCD0] =	vst v17;
	v17 =	vsub.f32 v17, v0;
	v38 =	vmul.f32 v27, v27;
	v40 =	vperm.xlane v33, v1  }
0x4b: {  	v20 =	vimm.f32 $1.000000020e+30;
	[tilespmem:$0x1FCE0] =	vst v19;
	v19 =	vsub.f32 v19, v0;
	v23 =	vperm.xlane v22, v1  }
0x4c: {  	v26 =	vmul.f32 v17, v17;
	[tilespmem:$0x1FCA0] =	vst v9;
	v9 =	vsub.f32 v9, v0;
	v31 =	vperm.xlane v40, v1  }
0x4d: {  	v24 =	vmul.f32 v19, v19;
	v19 =	vimm.f32 $1.000000020e+30;
	[tilespmem:$0x1FCB0] =	vst v11;
	v2 =	vsub.f32 v23, v0  }
0x4e: {  	v11 =	vsub.f32 v11, v0;
	[tilespmem:$0x1FC80] =	vst v4;
	v4 =	vsub.f32 v4, v0;
	v36 =	vperm.xlane v31, v1  }
0x4f: {  	[tilespmem:$0x1FC60] =	vst v23;
	v23 =	vperm.xlane v7, v1;
	v7 =	vsub.f32 v22, v0;
	v2 =	vmul.f32 v2, v2  }
0x50: {  	[tilespmem:$0x1FC90] =	vst v22;
	v41 =	vperm.xlane v36, v1;
	v18 =	vmul.f32 v4, v4;
	v22 =	vsub.f32 v21, v0  }
0x51: {  	v21 =	vmul.f32 v9, v9;
	v9 =	vsub.f32 v8, v0;
	v4 =	vmul.f32 v7, v7;
	[tilespmem:$0x1FD30] =	vst v2;
	v2 =	vld [tilespmem:s20+$0x200]  }
0x52: {  	[tilespmem:$0x1FCC0] =	vst v23;
	v45 =	vperm.xlane v23, v1;
	v23 =	vsub.f32 v15, v0;
	v7 =	vsub.f32 v10, v0  }
0x53: {  	v30 =	vmul.f32 v22, v22;
	[tilespmem:$0x1FD50] =	vst v4;
	v4 =	vmul.f32 v11, v11;
	v11 =	vsub.f32 v5, v0  }
0x54: {  	[tilespmem:$0x1FE80] =	vst v29;
	v43 =	vmul.f32 v9, v9;
	v0 =	vsub.f32 v3, v0;
	v3 =	vperm.xlane v45, v1  }
0x55: {  	[tilespmem:$0x1FE60] =	vst v35;
	v22 =	vimm.f32 $1.000000020e+30;
	v37 =	vmul.f32 v23, v23;
	v46 =	vmul.f32 v11, v11  }
0x56: {  	v47 =	vmul.f32 v0, v0;
	[tilespmem:$0x1FE20] =	vst v3;
	v3 =	vperm.xlane v3, v1;
	v17 =	vsub.f32 v41, v2  }
0x57: {  	[tilespmem:$0x1FDA0] =	vst v41;
	v41 =	vmul.f32 v7, v7;
	v7 =	vsub.f32 v31, v2;
	v9 =	vsub.f32 v36, v2  }
0x58: {  	[tilespmem:$0x1FE50] =	vst v3;
	v3 =	vperm.xlane v3, v1;
	v0 =	vsub.f32 v40, v2;
	v54 =	vsub.f32 v28, v2  }
0x59: {  	v52 =	vld [tilespmem:s20+$0x280];
	[tilespmem:$0x1FE00] =	vst v39;
	v11 =	vimm.f32 $1.000000020e+30;
	v55 =	vsub.f32 v16, v2;
	v56 =	vsub.f32 v14, v2  }
0x5a: {  	[tilespmem:$0x1FDB0] =	vst v31;
	v61 =	vsub.f32 v12, v2;
	v59 =	vsub.f32 v6, v2;
	v1 =	vperm.xlane v3, v1  }
0x5b: {  	[tilespmem:$0x1FDC0] =	vst v36;
	v28 =	vimm.f32 $1.000000020e+30;
	v31 =	vmul.f32 v17, v17;
	v36 =	vmul.f32 v7, v7  }
0x5c: {  	[tilespmem:$0x1FDE0] =	vst v33;
	v7 =	vsub.f32 v33, v2;
	v33 =	vmul.f32 v9, v9;
	v9 =	vsub.f32 v39, v2  }
0x5d: {  	[tilespmem:$0x1FDD0] =	vst v40;
	v39 =	vmul.f32 v0, v0;
	v0 =	vsub.f32 v42, v2;
	v17 =	vimm.f32 $1.000000020e+30  }
0x5e: {  	[tilespmem:$0x1FDF0] =	vst v45;
	v53 =	vsub.f32 v1, v52;
	v40 =	vmul.f32 v7, v7;
	v45 =	vmul.f32 v9, v9  }
0x5f: {  	[tilespmem:$0x1FE10] =	vst v42;
	v42 =	vmul.f32 v0, v0;
	v0 =	vsub.f32 v48, v2;
	v7 =	vsub.f32 v44, v2  }
0x60: {  	[tilespmem:$0x1FE40] =	vst v44;
	v9 =	vsub.f32 v35, v2;
	v44 =	vimm.f32 $1.000000020e+30;
	v35 =	vimm.f32 $1.000000020e+30  }
0x61: {  	[tilespmem:$0x1FE30] =	vst v48;
	v48 =	vmul.f32 v7, v7;
	v7 =	vsub.f32 v29, v2;
	v49 =	vmul.f32 v0, v0  }
0x62: {  	[tilespmem:$0x1FEA0] =	vst v3;
	v50 =	vmul.f32 v9, v9;
	v9 =	vimm.f32 $1.000000020e+30;
	v2 =	vimm.f32 $1.000000020e+30  }
0x63: {  	s21 =	simm.s32 $0x10;
	s20 =	simm.s32 $0x0;
	[tilespmem:$0x1FEE0] =	vst v1;
	v0 =	vimm.f32 $1.000000020e+30;
	v51 =	vmul.f32 v7, v7;
	v7 =	vimm.f32 $1.000000020e+30  }
.LBB2_5:
0x64: {  	v58 =	vld [tilespmem:$0x1FC20];
	_ =	sdelay $0x3  }
0x65: {  	v1 =	vld [tilespmem:$0x1FE50]  }
0x66: {  	v15 =	vsub.f32 v58, v52;
	v58 =	vld [tilespmem:$0x1FC30]  }
0x67: {  	v5 =	vld [tilespmem:$0x1FDF0]  }
0x68: {  	v6 =	vld [tilespmem:$0x1FE20]  }
0x69: {  	v8 =	vld [tilespmem:$0x1FC70]  }
0x6a: {  	v10 =	vld [tilespmem:$0x1FCC0]  }
0x6b: {  	v16 =	vsub.f32 v58, v52;
	v58 =	vld [tilespmem:$0x1FC10]  }
0x6c: {  	v12 =	vld [tilespmem:$0x1FC40]  }
0x6d: {  	v13 =	vld [tilespmem:$0x1FC50]  }
0x6e: {  	v54 =	vmul.f32 v54, v54;
	v25 =	vld [tilespmem:$0x1FBD0]  }
0x6f: {  	v55 =	vmul.f32 v55, v55;
	v56 =	vmul.f32 v56, v56;
	v29 =	vld [tilespmem:$0x1FBF0];
	v3 =	vsub.f32 v1, v52  }
0x70: {  	v61 =	vmul.f32 v61, v61;
	v5 =	vsub.f32 v5, v52;
	v23 =	vsub.f32 v58, v52;
	v58 =	vld [tilespmem:$0x1FBE0]  }
0x71: {  	v59 =	vmul.f32 v59, v59;
	v1 =	vld [tilespmem:$0x1FEA0];
	v6 =	vsub.f32 v6, v52;
	v8 =	vsub.f32 v8, v52  }
0x72: {  	v53 =	vmul.f32 v53, v53;
	v10 =	vsub.f32 v10, v52;
	v14 =	vsub.f32 v13, v52;
	v13 =	vld [tilespmem:$0x1FC00]  }
0x73: {  	v25 =	vsub.f32 v25, v52;
	v6 =	vmul.f32 v6, v6;
	v3 =	vmul.f32 v3, v3  }
0x74: {  	v29 =	vsub.f32 v29, v52;
	v10 =	vmul.f32 v10, v10;
	v5 =	vmul.f32 v5, v5  }
0x75: {  	v25 =	vmul.f32 v25, v25;
	v8 =	vmul.f32 v8, v8;
	v27 =	vsub.f32 v58, v52  }
0x76: {  	s22 =	sshra.s32 s20, $0x2;
	v12 =	vsub.f32 v12, v52;
	v29 =	vmul.f32 v29, v29;
	v15 =	vmul.f32 v15, v15  }
0x77: {  	v1 =	vsub.f32 v1, v52;
	v58 =	vld [tilespmem:s22+$0x2200];
	v52 =	vsub.f32 v13, v52;
	v27 =	vmul.f32 v27, v27  }
0x78: {  	v14 =	vmul.f32 v14, v14;
	v25 =	vadd.f32 v25, v59;
	v29 =	vadd.f32 v29, v56  }
0x79: {  	v15 =	vadd.f32 v15, v51;
	v52 =	vmul.f32 v52, v52;
	v27 =	vadd.f32 v27, v61  }
0x7a: {  	v25 =	vadd.f32 v47, v25;
	v29 =	vadd.f32 v43, v29;
	v23 =	vmul.f32 v23, v23  }
0x7b: {  	v12 =	vmul.f32 v12, v12;
	v55 =	vadd.f32 v52, v55;
	v27 =	vadd.f32 v46, v27  }
0x7c: {  	v16 =	vmul.f32 v16, v16;
	v23 =	vadd.f32 v23, v54;
	v47 =	vmin.f32 v58, v25  }
0x7d: {  	v12 =	vadd.f32 v12, v48;
	v41 =	vadd.f32 v41, v55;
	v56 =	vmin.f32 v47, v27  }
0x7e: {  	v16 =	vadd.f32 v16, v50;
	v23 =	vadd.f32 v38, v23;
	v43 =	vmin.f32 v56, v29  }
0x7f: {  	v14 =	vadd.f32 v14, v49;
	v15 =	vadd.f32 v37, v15;
	v58 =	vmin.f32 v43, v41  }
0x80: {  	v8 =	vadd.f32 v8, v45;
	v16 =	vadd.f32 v34, v16;
	v59 =	vmin.f32 v58, v23  }
0x81: {  	v10 =	vadd.f32 v10, v42;
	v12 =	vadd.f32 v32, v12;
	v61 =	vmin.f32 v59, v15  }
0x82: {  	v5 =	vadd.f32 v5, v40;
	v14 =	vadd.f32 v30, v14;
	v37 =	vmin.f32 v61, v16  }
0x83: {  	v6 =	vadd.f32 v6, v39;
	v8 =	vadd.f32 v26, v8;
	v38 =	vld [tilespmem:$0x1FD50];
	v30 =	vmin.f32 v37, v12  }
0x84: {  	v39 =	vld [tilespmem:$0x1FD30];
	v10 =	vadd.f32 v24, v10;
	v1 =	vmul.f32 v1, v1;
	v26 =	vmin.f32 v30, v14  }
0x85: {  	v3 =	vadd.f32 v3, v36;
	v5 =	vadd.f32 v21, v5;
	v24 =	vmin.f32 v26, v8  }
0x86: {  	v4 =	vadd.f32 v4, v6;
	v1 =	vadd.f32 v1, v33;
	v21 =	vmin.f32 v24, v10  }
0x87: {  	v3 =	vadd.f32 v18, v3;
	v18 =	vadd.f32 v53, v31;
	v6 =	vmin.f32 v21, v5  }
0x88: {  	v40 =	vld [tilespmem:$0x1FCE0];
	v1 =	vadd.f32 v38, v1;
	v6 =	vmin.f32 v6, v4  }
0x89: {  	v45 =	vld [tilespmem:$0x1FD10];
	v13 =	vadd.f32 v39, v18;
	v6 =	vmin.f32 v6, v3  }
0x8a: {  	s20 =	sadd.s32 $0x40, s20;
	v48 =	vld [tilespmem:$0x1FDA0];
	v6 =	vmin.f32 v6, v1  }
0x8b: {  	s23 =	sand.u32 $0x70, s21;
	s24 =	sand.u32 $0x1E00, s20;
	v28 =	vmin.f32 v28, v4;
	v4 =	vld [tilespmem:$0x1FC90];
	v6 =	vmin.f32 v6, v13  }
0x8c: {  	s23 =	sor.u32 s23, s24;
	v22 =	vmin.f32 v22, v3;
	v3 =	vld [tilespmem:$0x1FC80];
	[tilespmem:s22+$0x2200] =	vst v6  }
0x8d: {  	v6 =	vld [tilespmem:s23+$0x300]  }
0x8e: {  	v49 =	vld [tilespmem:$0x1FDB0]  }
0x8f: {  	v54 =	vld [tilespmem:$0x1FDE0]  }
0x90: {  	v46 =	vld [tilespmem:$0x1FD20]  }
0x91: {  	v57 =	vmin.f32 v57, v8;
	v8 =	vld [tilespmem:$0x1FCB0]  }
0x92: {  	v35 =	vmin.f32 v35, v5;
	v5 =	vld [tilespmem:$0x1FCA0];
	v3 =	vsub.f32 v3, v6;
	v4 =	vsub.f32 v4, v6  }
0x93: {  	v20 =	vmin.f32 v20, v1;
	v1 =	vld [tilespmem:$0x1FC60]  }
0x94: {  	v44 =	vmin.f32 v44, v10;
	v10 =	vld [tilespmem:$0x1FCD0];
	v18 =	vmul.f32 v3, v3;
	v3 =	vmul.f32 v4, v4  }
0x95: {  	v47 =	vld [tilespmem:$0x1FD40]  }
0x96: {  	[tilespmem:$0x1FD50] =	vst v3;
	v3 =	vld [tilespmem:$0x1FD60]  }
0x97: {  	v2 =	vmin.f32 v2, v41;
	v41 =	vld [tilespmem:$0x1FCF0];
	v5 =	vsub.f32 v5, v6  }
0x98: {  	v43 =	vld [tilespmem:$0x1FD00];
	v1 =	vsub.f32 v1, v6;
	v8 =	vsub.f32 v8, v6  }
0x99: {  	v10 =	vsub.f32 v10, v6;
	v21 =	vmul.f32 v5, v5;
	v5 =	vld [tilespmem:$0x1FD70]  }
0x9a: {  	v1 =	vmul.f32 v1, v1;
	v4 =	vmul.f32 v8, v8;
	v8 =	vld [tilespmem:$0x1FD80]  }
0x9b: {  	v26 =	vmul.f32 v10, v10;
	v10 =	vld [tilespmem:$0x1FD90];
	v3 =	vsub.f32 v3, v6  }
0x9c: {  	v0 =	vmin.f32 v0, v15;
	[tilespmem:$0x1FD30] =	vst v1;
	v1 =	vld [tilespmem:s23+$0x200]  }
0x9d: {  	v62 =	vmin.f32 v62, v12;
	v42 =	vsub.f32 v41, v6;
	v41 =	vmul.f32 v3, v3;
	v3 =	vld [tilespmem:$0x1FDD0]  }
0x9e: {  	v63 =	vmin.f32 v63, v16;
	v55 =	vld [tilespmem:$0x1FE00];
	v12 =	vsub.f32 v40, v6;
	v15 =	vsub.f32 v43, v6  }
0x9f: {  	v17 =	vmin.f32 v17, v23;
	v56 =	vld [tilespmem:$0x1FE40];
	v16 =	vsub.f32 v45, v6;
	v23 =	vsub.f32 v46, v6  }
0xa0: {  	v11 =	vmin.f32 v11, v25;
	v58 =	vld [tilespmem:$0x1FE70];
	v25 =	vsub.f32 v47, v6;
	v5 =	vsub.f32 v5, v6  }
0xa1: {  	v8 =	vsub.f32 v8, v6;
	v6 =	vsub.f32 v10, v6;
	v10 =	vld [tilespmem:$0x1FDC0]  }
0xa2: {  	v59 =	vld [tilespmem:$0x1FE80];
	v3 =	vsub.f32 v3, v1  }
0xa3: {  	v61 =	vld [tilespmem:$0x1FE90]  }
0xa4: {  	v39 =	vmul.f32 v3, v3;
	v3 =	vld [tilespmem:$0x1FEC0]  }
0xa5: {  	v43 =	vmul.f32 v5, v5;
	v5 =	vld [tilespmem:$0x1FE10]  }
0xa6: {  	v24 =	vmul.f32 v12, v12;
	v46 =	vmul.f32 v8, v8;
	v8 =	vld [tilespmem:$0x1FE30];
	v10 =	vsub.f32 v10, v1  }
0xa7: {  	v37 =	vmul.f32 v16, v16;
	v47 =	vmul.f32 v6, v6;
	v6 =	vld [tilespmem:$0x1FE60]  }
0xa8: {  	v12 =	vsub.f32 v48, v1;
	v16 =	vsub.f32 v55, v1;
	v33 =	vmul.f32 v10, v10;
	v10 =	vld [tilespmem:$0x1FEB0]  }
0xa9: {  	v55 =	vsub.f32 v61, v1;
	v61 =	vsub.f32 v3, v1;
	v3 =	vld [tilespmem:$0x1FED0]  }
0xaa: {  	v30 =	vmul.f32 v15, v15;
	v50 =	vsub.f32 v49, v1;
	v15 =	vsub.f32 v54, v1  }
0xab: {  	v34 =	vmul.f32 v23, v23;
	v23 =	vsub.f32 v56, v1;
	v54 =	vsub.f32 v58, v1  }
0xac: {  	v38 =	vmul.f32 v25, v25;
	v25 =	vsub.f32 v59, v1;
	v5 =	vsub.f32 v5, v1  }
0xad: {  	v52 =	vld [tilespmem:s23+$0x280];
	v8 =	vsub.f32 v8, v1;
	v6 =	vsub.f32 v6, v1  }
0xae: {  	p0 =	sne.s32 s21, $0x7F0;
	v56 =	vsub.f32 v10, v1;
	v59 =	vsub.f32 v3, v1;
	v1 =	vld [tilespmem:$0x1FEE0]  }
.Ltmp1:
0xaf: {  	v7 =	vmin.f32 v7, v29;
	v32 =	vmul.f32 v42, v42;
	v31 =	vmul.f32 v12, v12;
	(pc) =	sbr.rel @p0 .LBB2_5-.Ltmp1, $4  }
0xb0: {  	v60 =	vmin.f32 v60, v14;
	v36 =	vmul.f32 v50, v50;
	v40 =	vmul.f32 v15, v15  }
0xb1: {  	v19 =	vmin.f32 v19, v13;
	v45 =	vmul.f32 v16, v16;
	v48 =	vmul.f32 v23, v23  }
0xb2: {  	v9 =	vmin.f32 v9, v27;
	v51 =	vmul.f32 v25, v25;
	v42 =	vmul.f32 v5, v5  }
0xb3: {  	s21 =	sadd.s32 $0x10, s21;
	v49 =	vmul.f32 v8, v8;
	v50 =	vmul.f32 v6, v6;
	v53 =	vsub.f32 v1, v52  }
0xb4: {  	v1 =	vld [tilespmem:$0x1FE50]  }
0xb5: {  	v3 =	vld [tilespmem:$0x1FEA0]  }
0xb6: {  	v5 =	vld [tilespmem:$0x1FDF0]  }
0xb7: {  	v6 =	vld [tilespmem:$0x1FE20]  }
0xb8: {  	v8 =	vld [tilespmem:$0x1FC70]  }
0xb9: {  	v10 =	vld [tilespmem:$0x1FCC0]  }
0xba: {  	v15 =	vld [tilespmem:$0x1FBD0]  }
0xbb: {  	v27 =	vld [tilespmem:$0x1FC50]  }
0xbc: {  	v29 =	vld [tilespmem:$0x1FBE0]  }
0xbd: {  	v58 =	vld [tilespmem:$0x1FC20]  }
0xbe: {  	v23 =	vmul.f32 v59, v59;
	v59 =	vld [tilespmem:$0x1FC30];
	v1 =	vsub.f32 v1, v52  }
0xbf: {  	v13 =	vld [tilespmem:$0x1FC40];
	v3 =	vsub.f32 v3, v52;
	v5 =	vsub.f32 v5, v52  }
0xc0: {  	v12 =	vmul.f32 v61, v61;
	v61 =	vld [tilespmem:$0x1FC10];
	v6 =	vsub.f32 v6, v52;
	v8 =	vsub.f32 v8, v52  }
0xc1: {  	v10 =	vsub.f32 v10, v52;
	v15 =	vsub.f32 v15, v52  }
0xc2: {  	v16 =	vsub.f32 v27, v52;
	v25 =	vsub.f32 v29, v52  }
0xc3: {  	v27 =	vsub.f32 v58, v52;
	v29 =	vsub.f32 v59, v52  }
0xc4: {  	v14 =	vsub.f32 v13, v52;
	v15 =	vmul.f32 v15, v15;
	v25 =	vmul.f32 v25, v25  }
0xc5: {  	v58 =	vsub.f32 v61, v52;
	v13 =	vld [tilespmem:$0x1FBF0];
	v27 =	vmul.f32 v27, v27;
	v29 =	vmul.f32 v29, v29  }
0xc6: {  	v61 =	vld [tilespmem:$0x1FC00];
	v14 =	vmul.f32 v14, v14;
	v16 =	vmul.f32 v16, v16;
	v15 =	vadd.f32 v15, v23  }
0xc7: {  	v8 =	vmul.f32 v8, v8;
	v12 =	vadd.f32 v25, v12;
	v27 =	vadd.f32 v27, v51  }
0xc8: {  	v5 =	vmul.f32 v5, v5;
	v29 =	vadd.f32 v29, v50;
	v14 =	vadd.f32 v14, v48  }
0xc9: {  	v6 =	vmul.f32 v6, v6;
	v16 =	vadd.f32 v16, v49;
	v8 =	vadd.f32 v8, v45  }
0xca: {  	s20 =	sshra.s32 s20, $0x2;
	v5 =	vadd.f32 v5, v40;
	v59 =	vsub.f32 v13, v52  }
0xcb: {  	v45 =	vld [tilespmem:s20+$0x2200];
	v6 =	vadd.f32 v6, v39;
	v52 =	vsub.f32 v61, v52;
	v61 =	vmul.f32 v56, v56  }
0xcc: {  	v15 =	vadd.f32 v47, v15;
	v47 =	vmul.f32 v55, v55;
	v56 =	vmul.f32 v59, v59  }
0xcd: {  	v12 =	vadd.f32 v46, v12;
	v27 =	vadd.f32 v37, v27;
	v52 =	vmul.f32 v52, v52  }
0xce: {  	v50 =	vld [tilespmem:$0x1FD50];
	v59 =	vmul.f32 v54, v54;
	v23 =	vadd.f32 v56, v61;
	v61 =	vmul.f32 v58, v58  }
0xcf: {  	v40 =	vld [tilespmem:$0x1FFB0];
	v29 =	vadd.f32 v34, v29;
	v13 =	vadd.f32 v52, v47  }
0xd0: {  	v55 =	vld [tilespmem:$0x1FF30];
	v47 =	vmin.f32 v45, v15;
	v23 =	vadd.f32 v43, v23;
	v25 =	vadd.f32 v61, v59  }
0xd1: {  	v46 =	vmul.f32 v53, v53;
	v37 =	vld [tilespmem:$0x1FF90];
	v48 =	vmin.f32 v47, v12;
	v41 =	vadd.f32 v41, v13  }
0xd2: {  	v54 =	vmin.f32 v63, v29;
	v63 =	vld [tilespmem:$0x1FF80];
	v25 =	vadd.f32 v38, v25;
	v49 =	vmin.f32 v48, v23  }
0xd3: {  	v4 =	vadd.f32 v4, v6;
	v6 =	vadd.f32 v46, v31;
	v46 =	vld [tilespmem:$0x1FFE0];
	v51 =	vmin.f32 v49, v41  }
0xd4: {  	v10 =	vmul.f32 v10, v10;
	v9 =	vmin.f32 v9, v12;
	v52 =	vld [tilespmem:$0x1FD30];
	v12 =	vmin.f32 v51, v25  }
0xd5: {  	v1 =	vmul.f32 v1, v1;
	v14 =	vadd.f32 v32, v14;
	v56 =	vld [tilespmem:$0x1FF40];
	v12 =	vmin.f32 v12, v27  }
0xd6: {  	v3 =	vmul.f32 v3, v3;
	v16 =	vadd.f32 v30, v16;
	v45 =	vld [tilespmem:$0x1FFD0];
	v12 =	vmin.f32 v12, v29  }
0xd7: {  	v10 =	vadd.f32 v10, v42;
	v1 =	vadd.f32 v1, v36;
	v59 =	vld [tilespmem:$0x1FF50];
	v12 =	vmin.f32 v12, v14  }
0xd8: {  	v3 =	vadd.f32 v3, v33;
	v12 =	vmin.f32 v12, v16;
	v16 =	vmin.f32 v60, v16;
	v60 =	vld [tilespmem:$0x1FF60]  }
0xd9: {  	v8 =	vadd.f32 v26, v8;
	v10 =	vadd.f32 v24, v10;
	v14 =	vmin.f32 v62, v14;
	v62 =	vld [tilespmem:$0x1FF70]  }
0xda: {  	v5 =	vadd.f32 v21, v5;
	v1 =	vadd.f32 v18, v1;
	v38 =	vld [tilespmem:$0x1FFA0]  }
0xdb: {  	v11 =	vmin.f32 v11, v15;
	v2 =	vmin.f32 v2, v41;
	v58 =	vcombine.low v56, v55;
	v41 =	vld [tilespmem:$0x1FFC0]  }
0xdc: {  	v0 =	vmin.f32 v0, v27;
	v3 =	vadd.f32 v50, v3;
	v48 =	vld [tilespmem:$0x1FEF0];
	v47 =	vcombine.low v46, v45  }
0xdd: {  	v7 =	vmin.f32 v7, v23;
	v49 =	vld [tilespmem:$0x1FF00];
	v9 =	vperm.xlane v9, v58;
	v61 =	vcombine.low v60, v59  }
0xde: {  	v6 =	vadd.f32 v52, v6;
	v50 =	vperm.xlane v54, v47;
	v36 =	vcombine.low v63, v62  }
0xdf: {  	v53 =	vmin.f32 v17, v25;
	v39 =	vcombine.low v38, v37;
	v7 =	vperm.xlane v7, v61  }
0xe0: {  	v9 =	vmin.f32 v11, v9;
	v42 =	vcombine.low v41, v40;
	v2 =	vperm.xlane v2, v36  }
0xe1: {  	v52 =	vld [tilespmem:$0x1FFF0];
	v58 =	vcombine.low v40, v41;
	v43 =	vperm.xlane v53, v39;
	v7 =	vmin.f32 v9, v7  }
0xe2: {  	v0 =	vperm.xlane v0, v42;
	v2 =	vmin.f32 v7, v2;
	v7 =	vcombine.low v48, v49  }
0xe3: {  	v12 =	vmin.f32 v12, v8;
	v8 =	vmin.f32 v57, v8;
	v2 =	vmin.f32 v2, v43  }
0xe4: {  	v53 =	vcombine.low v55, v56;
	v0 =	vmin.f32 v2, v0;
	v2 =	vperm.xlane v14, v7  }
0xe5: {  	v57 =	vcombine.low v37, v38;
	v51 =	vmin.f32 v12, v10;
	v0 =	vmin.f32 v0, v50  }
0xe6: {  	v7 =	vperm.xlane v16, v52;
	v0 =	vmin.f32 v0, v2;
	v2 =	vcombine.low v59, v60  }
0xe7: {  	v10 =	vmin.f32 v44, v10;
	v11 =	vmin.f32 v51, v5;
	v54 =	vperm.xlane v8, v53  }
0xe8: {  	v56 =	vcombine.low v62, v63;
	v0 =	vmin.f32 v0, v7;
	v2 =	vperm.xlane v10, v2  }
0xe9: {  	v5 =	vmin.f32 v35, v5;
	v55 =	vmin.f32 v11, v4;
	v0 =	vmin.f32 v0, v54  }
0xea: {  	v4 =	vmin.f32 v28, v4;
	v0 =	vmin.f32 v0, v2;
	v2 =	vperm.xlane v5, v56  }
0xeb: {  	v4 =	vperm.xlane v4, v57;
	v59 =	vmin.f32 v22, v1  }
0xec: {  	v0 =	vmin.f32 v0, v2;
	v2 =	vperm.xlane v59, v58  }
0xed: {  	v0 =	vmin.f32 v0, v4  }
0xee: {  	v1 =	vmin.f32 v55, v1;
	v0 =	vmin.f32 v0, v2;
	v2 =	vld [tilespmem:$0x1FF10]  }
0xef: {  	v1 =	vmin.f32 v1, v3  }
0xf0: {  	s19 =	sadd.s32 $0x1, s19;
	v60 =	vcombine.low v45, v46;
	v1 =	vmin.f32 v1, v6  }
0xf1: {  	p0 =	sne.s32 s19, $0x4;
	v61 =	vmin.f32 v20, v3;
	[tilespmem:s20+$0x2200] =	vst v1;
	v1 =	vld [tilespmem:$0x1FBC0]  }
.Ltmp2:
0xf2: {  	v63 =	vmin.f32 v19, v6;
	v62 =	vperm.xlane v61, v60;
	(pc) =	sbr.rel @p0 .LBB2_4-.Ltmp2, $4  }
0xf3: {  	v2 =	vperm.xlane v63, v2  }
0xf4: {  	v0 =	vmin.f32 v0, v62  }
0xf5: {  	v0 =	vclamp.gez.f32 v0, v2  }
0xf6: {  	v0 =	vadd.f32 v0, v1  }
0xf7: {  	_ = 	snop  }
0xf8: {  	[tilespmem:$0x2A00] =	vst v0  }
0xf9: {  	[hbm4b:s7+s2] =	stream.linear.scatter [tilespmem:s14], [sflag:$0x1], $0x80, $0x38;
	[tilespmem:$0x2A80] =	vst v63  }
0xfa: {  	s17 =	sadd.s32 $0x1, s17;
	_ =	swait.ge [sflag:s10], $0x80  }
0xfb: {  	p0 =	sne.s32 s17, s9;
	[sflag:s10] =	ssyncset.done $0x0  }
.Ltmp3:
0xfc: {  	[sflag:s10] =	ssyncadd.s32 $0xFFFFFF80;
	(pc) =	sbr.rel @p0 .LBB2_1-.Ltmp3, $4  }
0xfd: {  	[hbm4b:s8+s11] =	stream.strided.scatter [tilespmem:s16], [sflag:$0x1], $0x800, s15, s11, $0x38;
	[tilespmem:$0x2A80] =	vst v63  }
0xfe: {  	_ =	swait.ge [sflag:s10], $0x800  }
0xff: {  	[sflag:s10] =	ssyncset.done $0x0  }
0x100: {  	v6 =	vimm.f32 $1.000000020e+30;
	[sflag:s10] =	ssyncadd.s32 $0xFFFFF800  }
0x101: {  	_ =	sfence.sel $0x180000  }
0x102: {  	[bflag:$0x0] =	sbarrier.arrive $0xFFFF  }
0x103: {  	p0 =	sne.s32 s1, $0x0;
	_ =	strace $0x90000047  }
0x104: {  	s0 =	sadd.s32 @!p0 $0x100000, s0;
	[bflag:$0x2] =	sbarrier.arrive $0xFFFF  }
0x105: {  	[sflag:s0] =	ssyncadd.tile.s32 @!p0 $0x1;
	_ =	shalt  }
.Lfunc_end2:
_tile_overlayer_lowered:
.L_overlay_start_2:
0x106: {  	(tag) =	ssettag $0x2  }
0x107: {  	s0 =	rddreg [dreg:$0x0];
	s2 =	stileid.u32  }
0x108: {  	s1 =	rddreg [dreg:$0x1];
	p0 =	sne.s32 s2, $0x0  }
0x109: {  	s3 =	rddreg [dreg:$0x2];
	[bflag:$0x3] =	sbarrier.arrive $0xFFFF;
	s2 =	simm.s32 @!p0 $0x1C01  }
0x10a: {  	[timem:s3], [sflag:s2] =	dma.local @!p0 [hbm:s0], s1  }
0x10b: {  	s0 =	simm.s32 @!p0 $0x1  }
0x10c: {  	_ =	swait.ge @!p0 [sflag:s0], s1  }
0x10d: {  	s1 =	ssub.s32 @!p0 $0x0, s1;
	[sflag:s0] =	ssyncset.done @!p0 $0x0  }
0x10e: {  	[sflag:s0] =	ssyncadd.s32 @!p0 s1  }
0x10f: {  	[bflag:$0x3] =	sbarrier.arrive $0xFFFF  }
0x110: {  	_ =	shalt  }

</sc_bundles>
